<compile_context>
chip_gen: v7x
topology: tpu7x:2x2x1
jax: 0.10.2.dev20260603
libtpu: 0.0.44.dev20260713+nightly
codegen_flags: <defaults>
</compile_context>

<pallas_src>
import functools

import jax
import jax.numpy as jnp
from jax import lax
from jax.experimental import pallas as pl
from jax.experimental.pallas import tpu as pltpu
from jax.experimental.pallas import tpu_sc as plsc

NUM_CORES = 2
NUM_SUBCORES = 16
NUM_WORKERS = NUM_CORES * NUM_SUBCORES
NB = 128
TS = 129


@functools.lru_cache(maxsize=None)
def _make_gather(B0, H, V, D):
    cols_per_w = B0 // NUM_WORKERS
    n_blocks = cols_per_w // NB
    mesh = plsc.VectorSubcoreMesh(
        core_axis_name="c",
        subcore_axis_name="s",
        num_cores=NUM_CORES,
        num_subcores=NUM_SUBCORES,
    )

    @functools.partial(
        pl.kernel,
        out_type=jax.ShapeDtypeStruct((H, D, B0), jnp.float32),
        mesh=mesh,
        scratch_types=[
            pltpu.VMEM((NB,), jnp.int32),
            pltpu.VMEM((NB,), jnp.int32),
            pltpu.VMEM((NB, D), jnp.float32),
            pltpu.VMEM((NB, D), jnp.float32),
            pltpu.VMEM((D, TS), jnp.float32),
            pltpu.VMEM((D, TS), jnp.float32),
        ]
        + [pltpu.SemaphoreType.DMA] * 6,
        compiler_params=pltpu.CompilerParams(
            use_tc_tiling_on_sc=False, needs_layout_passes=False
        ),
    )
    def gather_kernel(idx_hbm, table_hbm, out_hbm, i0, i1, g0, g1, t0, t1, *sems):
        i_v = (i0, i1)
        g_v = (g0, g1)
        t_v = (t0, t1)
        sem_i = sems[0:2]
        sem_g = sems[2:4]
        sem_o = sems[4:6]
        wid = lax.axis_index("s") * NUM_CORES + lax.axis_index("c")

        def idx_copy(b0, h, p):
            return pltpu.async_copy(
                idx_hbm.at[h, pl.ds(b0, NB)], i_v[p], sem_i[p]
            )

        def idx_wait(b0, h, p):
            pltpu.make_async_copy(
                idx_hbm.at[h, pl.ds(b0, NB)], i_v[p], sem_i[p]
            ).wait()

        def gather(p):
            return pltpu.async_copy(table_hbm.at[i_v[p]], g_v[p], sem_g[p])

        def gather_wait(p):
            pltpu.make_async_copy(
                table_hbm.at[i_v[p]], g_v[p], sem_g[p]
            ).wait()

        def wb(b0, h, p):
            return pltpu.async_copy(
                t_v[p].at[:, pl.ds(0, NB)],
                out_hbm.at[h, :, pl.ds(b0, NB)],
                sem_o[p],
            )

        def wb_wait(b0, h, p):
            pltpu.make_async_copy(
                t_v[p].at[:, pl.ds(0, NB)],
                out_hbm.at[h, :, pl.ds(b0, NB)],
                sem_o[p],
            ).wait()

        iotas = [
            lax.broadcasted_iota(jnp.int32, (16,), 0) + 16 * k
            for k in range(D // 16)
        ]

        def transpose(p):
            @plsc.parallel_loop(0, NB, unroll=16)
            def _(r):
                cols = jnp.full((16,), r, dtype=jnp.int32)
                for k in range(D // 16):
                    v = g_v[p][r, pl.ds(16 * k, 16)]
                    plsc.store_scatter(t_v[p], [iotas[k], cols], v)

        def block_body(bc, carry):
            b0 = wid * cols_per_w + bc * NB
            idx_copy(b0, 0, 0)
            idx_wait(b0, 0, 0)
            gather(0)
            idx_copy(b0, 1, 1)

            def h_body(ho, carry2):
                for hh in range(2):
                    h = ho * 2 + hh
                    p = hh
                    q = (hh + 1) % 2
                    gather_wait(p)

                    def fire_gather():
                        idx_wait(b0, h + 1, q)
                        gather(q)
                        return None

                    if hh == 0:
                        fire_gather()
                    else:
                        pl.when(ho < H // 2 - 1)(fire_gather)

                    def fire_idx():
                        idx_copy(b0, h + 2, p)
                        return None

                    pl.when(ho < H // 2 - 1)(fire_idx)

                    def buf_free():
                        wb_wait(b0, h - 2, p)

                    pl.when(ho >= 1)(buf_free)
                    transpose(p)
                    wb(b0, h, p)
                return carry2

            lax.fori_loop(0, H // 2, h_body, 0)
            wb_wait(b0, H - 2, 0)
            wb_wait(b0, H - 1, 1)
            return carry

        lax.fori_loop(0, n_blocks, block_body, 0)

    return gather_kernel


def kernel(indices, table):
    B0, H = indices.shape
    V, D = table.shape
    idx_t = jnp.transpose(indices).astype(jnp.int32)
    out_t = _make_gather(B0, H, V, D)(idx_t, table)
    return jnp.transpose(out_t, (2, 0, 1))

# --- scband reference (transcript-rebuilt; emitter-appended) ---
"""Pipeline reference for scband-encoder-base-36197984370721 (READ-ONLY COPY).

The authoritative reference and input builder live on the scoring server;
editing this copy changes nothing except your own understanding.
"""

import jax, jax.numpy as jnp
import numpy as np

VOCAB = 1000000
EMBED_DIM = 64
BATCH = 16384
HIST = 200

def setup_inputs(seed: int = 0) -> dict:
    key = jax.random.key(seed)
    k_idx, k_tab = jax.random.split(key)
    indices = jax.random.randint(k_idx, (BATCH, HIST), 0, VOCAB, dtype=jnp.int64 if jax.config.read('jax_enable_x64') else jnp.int32)
    table = jax.random.normal(k_tab, (VOCAB, EMBED_DIM), dtype=jnp.float32)
    return {"indices": indices, "table": table}

def reference(indices, table):
    # encoder_base forward: embed lookup followed by dropout.
    # Dropout is identity in eval mode; faithful inference translation.
    out = jnp.take(table, indices, axis=0)
    return out

if __name__ == "__main__":
    import jax
    _d = setup_inputs()
    print(jax.jit(kernel)(*tuple(_d.values())))

</pallas_src>

<mosaic_0001>
#map = affine_map<(d0, d1) -> (0, 0)>
#map1 = affine_map<(d0, d1) -> (0, 0, 0)>
module attributes {stable_mosaic.version = 14 : i64} {
  func.func @gather_kernel(%arg0: i32, %arg1: i32, %arg2: memref<200x16384xi32, #tpu.memory_space<hbm>>, %arg3: memref<1000000x64xf32, #tpu.memory_space<hbm>>, %arg4: memref<200x64x16384xf32, #tpu.memory_space<hbm>>, %arg5: memref<128xi32, #tpu.memory_space<vmem>>, %arg6: memref<128xi32, #tpu.memory_space<vmem>>, %arg7: memref<128x64xf32, #tpu.memory_space<vmem>>, %arg8: memref<128x64xf32, #tpu.memory_space<vmem>>, %arg9: memref<64x129xf32, #tpu.memory_space<vmem>>, %arg10: memref<64x129xf32, #tpu.memory_space<vmem>>, %arg11: memref<!tpu.dma_semaphore, #tpu.memory_space<semaphore_mem>>, %arg12: memref<!tpu.dma_semaphore, #tpu.memory_space<semaphore_mem>>, %arg13: memref<!tpu.dma_semaphore, #tpu.memory_space<semaphore_mem>>, %arg14: memref<!tpu.dma_semaphore, #tpu.memory_space<semaphore_mem>>, %arg15: memref<!tpu.dma_semaphore, #tpu.memory_space<semaphore_mem>>, %arg16: memref<!tpu.dma_semaphore, #tpu.memory_space<semaphore_mem>>) attributes {dimension_semantics = [#tpu.dimension_semantics<core_parallel>, #tpu.dimension_semantics<subcore_parallel>], iteration_bounds = array<i64: 2, 16>, scalar_prefetch = 0 : i64, scratch_operands = 12 : i64, tpu.core_type = #tpu.core_type<sc_vector_subcore>, window_params = [{transform_indices = #map}, {transform_indices = #map}, {transform_indices = #map1}]} {
    %mul3A = arith.constant 2 : i32
    %mul3A_0 = arith.muli %arg1, %mul3A : i32
    %add3A = arith.addi %mul3A_0, %arg0 : i32
    %iota3A = tpu.iota {dimensions = array<i32: 0>} : vector<16xi32>
    %add3A_1 = arith.constant 0 : i32
    %add3A_2 = vector.broadcast %add3A_1 : i32 to vector<16xi32>
    %add3A_3 = arith.addi %iota3A, %add3A_2 : vector<16xi32>
    %iota3A_4 = tpu.iota {dimensions = array<i32: 0>} : vector<16xi32>
    %add3A_5 = arith.constant 16 : i32
    %add3A_6 = vector.broadcast %add3A_5 : i32 to vector<16xi32>
    %add3A_7 = arith.addi %iota3A_4, %add3A_6 : vector<16xi32>
    %iota3A_8 = tpu.iota {dimensions = array<i32: 0>} : vector<16xi32>
    %add3A_9 = arith.constant 32 : i32
    %add3A_10 = vector.broadcast %add3A_9 : i32 to vector<16xi32>
    %add3A_11 = arith.addi %iota3A_8, %add3A_10 : vector<16xi32>
    %iota3A_12 = tpu.iota {dimensions = array<i32: 0>} : vector<16xi32>
    %add3A_13 = arith.constant 48 : i32
    %add3A_14 = vector.broadcast %add3A_13 : i32 to vector<16xi32>
    %add3A_15 = arith.addi %iota3A_12, %add3A_14 : vector<16xi32>
    %scan3A = arith.constant 0 : i32
    %scan3A_16 = arith.constant 0 : i32
    %scan3A_17 = arith.constant 4 : i32
    %scan3A_18 = arith.addi %scan3A_16, %scan3A_17 : i32
    %scan3A_19 = arith.constant 1 : i32
    scf.for %scan3A_21 = %scan3A_16 to %scan3A_18 step %scan3A_19  : i32 {
      %mul3A_22 = arith.constant 512 : i32
      %mul3A_23 = arith.muli %add3A, %mul3A_22 : i32
      %mul3A_24 = arith.constant 128 : i32
      %mul3A_25 = arith.muli %scan3A_21, %mul3A_24 : i32
      %add3A_26 = arith.addi %mul3A_23, %mul3A_25 : i32
      %dma_start3A = arith.constant 0 : i32
      %dma_start3A_27 = tpu.memref_slice %arg2[%dma_start3A, %add3A_26] : memref<200x16384xi32, #tpu.memory_space<hbm>> -> memref<1x128xi32, #tpu.memory_space<hbm>>
      %dma_start3A_28 = tpu.memref_squeeze %dma_start3A_27 : memref<1x128xi32, #tpu.memory_space<hbm>> -> memref<128xi32, #tpu.memory_space<hbm>>
      %dma_start3A_29 = tpu.memref_slice %arg2[%dma_start3A, %add3A_26] : memref<200x16384xi32, #tpu.memory_space<hbm>> -> memref<1x128xi32, #tpu.memory_space<hbm>>
      %dma_start3A_30 = tpu.memref_squeeze %dma_start3A_29 : memref<1x128xi32, #tpu.memory_space<hbm>> -> memref<128xi32, #tpu.memory_space<hbm>>
      tpu.enqueue_dma source(%dma_start3A_30 : memref<128xi32, #tpu.memory_space<hbm>>) target(%arg5 : memref<128xi32, #tpu.memory_space<vmem>>) target_semaphore(%arg11 : memref<!tpu.dma_semaphore, #tpu.memory_space<semaphore_mem>>)
      %dma_wait3A = arith.constant 0 : i32
      %dma_wait3A_31 = tpu.memref_slice %arg2[%dma_wait3A, %add3A_26] : memref<200x16384xi32, #tpu.memory_space<hbm>> -> memref<1x128xi32, #tpu.memory_space<hbm>>
      %dma_wait3A_32 = tpu.memref_squeeze %dma_wait3A_31 : memref<1x128xi32, #tpu.memory_space<hbm>> -> memref<128xi32, #tpu.memory_space<hbm>>
      %dma_wait3A_33 = tpu.memref_slice %arg2[%dma_wait3A, %add3A_26] : memref<200x16384xi32, #tpu.memory_space<hbm>> -> memref<1x128xi32, #tpu.memory_space<hbm>>
      %dma_wait3A_34 = tpu.memref_squeeze %dma_wait3A_33 : memref<1x128xi32, #tpu.memory_space<hbm>> -> memref<128xi32, #tpu.memory_space<hbm>>
      tpu.wait_dma2 semaphore(%arg11 : memref<!tpu.dma_semaphore, #tpu.memory_space<semaphore_mem>>) src(%dma_wait3A_34 : memref<128xi32, #tpu.memory_space<hbm>>) dst(%arg5 : memref<128xi32, #tpu.memory_space<vmem>>)
      %dma_start3A_35 = arith.constant 0 : i32
      %dma_start3A_36 = arith.constant 0 : i32
      %dma_start3A_37 = tpu.memref_slice %arg3[%dma_start3A_35, %dma_start3A_36] : memref<1000000x64xf32, #tpu.memory_space<hbm>> -> memref<1000000x64xf32, #tpu.memory_space<hbm>>
      tpu.enqueue_indirect_dma source(%dma_start3A_37 : memref<1000000x64xf32, #tpu.memory_space<hbm>>) target(%arg7 : memref<128x64xf32, #tpu.memory_space<vmem>>) offsets(%arg5 : memref<128xi32, #tpu.memory_space<vmem>>) semaphore(%arg13 : memref<!tpu.dma_semaphore, #tpu.memory_space<semaphore_mem>>)
      %dma_start3A_38 = arith.constant 1 : i32
      %dma_start3A_39 = tpu.memref_slice %arg2[%dma_start3A_38, %add3A_26] : memref<200x16384xi32, #tpu.memory_space<hbm>> -> memref<1x128xi32, #tpu.memory_space<hbm>>
      %dma_start3A_40 = tpu.memref_squeeze %dma_start3A_39 : memref<1x128xi32, #tpu.memory_space<hbm>> -> memref<128xi32, #tpu.memory_space<hbm>>
      %dma_start3A_41 = tpu.memref_slice %arg2[%dma_start3A_38, %add3A_26] : memref<200x16384xi32, #tpu.memory_space<hbm>> -> memref<1x128xi32, #tpu.memory_space<hbm>>
      %dma_start3A_42 = tpu.memref_squeeze %dma_start3A_41 : memref<1x128xi32, #tpu.memory_space<hbm>> -> memref<128xi32, #tpu.memory_space<hbm>>
      tpu.enqueue_dma source(%dma_start3A_42 : memref<128xi32, #tpu.memory_space<hbm>>) target(%arg6 : memref<128xi32, #tpu.memory_space<vmem>>) target_semaphore(%arg12 : memref<!tpu.dma_semaphore, #tpu.memory_space<semaphore_mem>>)
      %scan3A_43 = arith.constant 0 : i32
      %scan3A_44 = arith.constant 0 : i32
      %scan3A_45 = arith.constant 100 : i32
      %scan3A_46 = arith.addi %scan3A_44, %scan3A_45 : i32
      %scan3A_47 = arith.constant 1 : i32
      scf.for %scan3A_75 = %scan3A_44 to %scan3A_46 step %scan3A_47  : i32 {
        %mul3A_76 = arith.constant 2 : i32
        %mul3A_77 = arith.muli %scan3A_75, %mul3A_76 : i32
        %add3A_78 = arith.constant 0 : i32
        %add3A_79 = arith.addi %mul3A_77, %add3A_78 : i32
        %dma_wait3A_80 = arith.constant 0 : i32
        %dma_wait3A_81 = arith.constant 0 : i32
        %dma_wait3A_82 = tpu.memref_slice %arg3[%dma_wait3A_80, %dma_wait3A_81] : memref<1000000x64xf32, #tpu.memory_space<hbm>> -> memref<1000000x64xf32, #tpu.memory_space<hbm>>
        tpu.wait_indirect_dma semaphore(%arg13 : memref<!tpu.dma_semaphore, #tpu.memory_space<semaphore_mem>>) src(%dma_wait3A_82 : memref<1000000x64xf32, #tpu.memory_space<hbm>>) dst(%arg7 : memref<128x64xf32, #tpu.memory_space<vmem>>)
        %add3A_83 = arith.constant 1 : i32
        %add3A_84 = arith.addi %add3A_79, %add3A_83 : i32
        %dma_wait3A_85 = tpu.memref_slice %arg2[%add3A_84, %add3A_26] : memref<200x16384xi32, #tpu.memory_space<hbm>> -> memref<1x128xi32, #tpu.memory_space<hbm>>
        %dma_wait3A_86 = tpu.memref_squeeze %dma_wait3A_85 : memref<1x128xi32, #tpu.memory_space<hbm>> -> memref<128xi32, #tpu.memory_space<hbm>>
        %dma_wait3A_87 = tpu.memref_slice %arg2[%add3A_84, %add3A_26] : memref<200x16384xi32, #tpu.memory_space<hbm>> -> memref<1x128xi32, #tpu.memory_space<hbm>>
        %dma_wait3A_88 = tpu.memref_squeeze %dma_wait3A_87 : memref<1x128xi32, #tpu.memory_space<hbm>> -> memref<128xi32, #tpu.memory_space<hbm>>
        tpu.wait_dma2 semaphore(%arg12 : memref<!tpu.dma_semaphore, #tpu.memory_space<semaphore_mem>>) src(%dma_wait3A_88 : memref<128xi32, #tpu.memory_space<hbm>>) dst(%arg6 : memref<128xi32, #tpu.memory_space<vmem>>)
        %dma_start3A_89 = arith.constant 0 : i32
        %dma_start3A_90 = arith.constant 0 : i32
        %dma_start3A_91 = tpu.memref_slice %arg3[%dma_start3A_89, %dma_start3A_90] : memref<1000000x64xf32, #tpu.memory_space<hbm>> -> memref<1000000x64xf32, #tpu.memory_space<hbm>>
        tpu.enqueue_indirect_dma source(%dma_start3A_91 : memref<1000000x64xf32, #tpu.memory_space<hbm>>) target(%arg8 : memref<128x64xf32, #tpu.memory_space<vmem>>) offsets(%arg6 : memref<128xi32, #tpu.memory_space<vmem>>) semaphore(%arg14 : memref<!tpu.dma_semaphore, #tpu.memory_space<semaphore_mem>>)
        %lt3A = arith.constant 99 : i32
        %lt3A_92 = arith.cmpi slt, %scan3A_75, %lt3A : i32
        %convert_element_type3A = arith.extui %lt3A_92 : i1 to i32
        %cond3A = arith.constant 0 : i32
        %cond3A_93 = arith.cmpi ne, %convert_element_type3A, %cond3A : i32
        scf.if %cond3A_93 {
          %add3A_149 = arith.constant 2 : i32
          %add3A_150 = arith.addi %add3A_79, %add3A_149 : i32
          %dma_start3A_151 = tpu.memref_slice %arg2[%add3A_150, %add3A_26] : memref<200x16384xi32, #tpu.memory_space<hbm>> -> memref<1x128xi32, #tpu.memory_space<hbm>>
          %dma_start3A_152 = tpu.memref_squeeze %dma_start3A_151 : memref<1x128xi32, #tpu.memory_space<hbm>> -> memref<128xi32, #tpu.memory_space<hbm>>
          %dma_start3A_153 = tpu.memref_slice %arg2[%add3A_150, %add3A_26] : memref<200x16384xi32, #tpu.memory_space<hbm>> -> memref<1x128xi32, #tpu.memory_space<hbm>>
          %dma_start3A_154 = tpu.memref_squeeze %dma_start3A_153 : memref<1x128xi32, #tpu.memory_space<hbm>> -> memref<128xi32, #tpu.memory_space<hbm>>
          tpu.enqueue_dma source(%dma_start3A_154 : memref<128xi32, #tpu.memory_space<hbm>>) target(%arg5 : memref<128xi32, #tpu.memory_space<vmem>>) target_semaphore(%arg11 : memref<!tpu.dma_semaphore, #tpu.memory_space<semaphore_mem>>)
        } else {
        }
        %ge3A = arith.constant 1 : i32
        %ge3A_94 = arith.cmpi sge, %scan3A_75, %ge3A : i32
        %convert_element_type3A_95 = arith.extui %ge3A_94 : i1 to i32
        %cond3A_96 = arith.constant 0 : i32
        %cond3A_97 = arith.cmpi ne, %convert_element_type3A_95, %cond3A_96 : i32
        scf.if %cond3A_97 {
          %sub3A = arith.constant 2 : i32
          %sub3A_149 = arith.subi %add3A_79, %sub3A : i32
          %dma_wait3A_150 = arith.constant 0 : i32
          %dma_wait3A_151 = arith.constant 0 : i32
          %dma_wait3A_152 = tpu.memref_slice %arg9[%dma_wait3A_150, %dma_wait3A_151] : memref<64x129xf32, #tpu.memory_space<vmem>> -> memref<64x128xf32, #tpu.memory_space<vmem>>
          %dma_wait3A_153 = arith.constant 0 : i32
          %dma_wait3A_154 = tpu.memref_slice %arg4[%sub3A_149, %dma_wait3A_153, %add3A_26] : memref<200x64x16384xf32, #tpu.memory_space<hbm>> -> memref<1x64x128xf32, #tpu.memory_space<hbm>>
          %dma_wait3A_155 = tpu.memref_squeeze %dma_wait3A_154 : memref<1x64x128xf32, #tpu.memory_space<hbm>> -> memref<64x128xf32, #tpu.memory_space<hbm>>
          %dma_wait3A_156 = arith.constant 0 : i32
          %dma_wait3A_157 = tpu.memref_slice %arg4[%sub3A_149, %dma_wait3A_156, %add3A_26] : memref<200x64x16384xf32, #tpu.memory_space<hbm>> -> memref<1x64x128xf32, #tpu.memory_space<hbm>>
          %dma_wait3A_158 = tpu.memref_squeeze %dma_wait3A_157 : memref<1x64x128xf32, #tpu.memory_space<hbm>> -> memref<64x128xf32, #tpu.memory_space<hbm>>
          %dma_wait3A_159 = arith.constant 0 : i32
          %dma_wait3A_160 = arith.constant 0 : i32
          %dma_wait3A_161 = tpu.memref_slice %arg9[%dma_wait3A_159, %dma_wait3A_160] : memref<64x129xf32, #tpu.memory_space<vmem>> -> memref<64x128xf32, #tpu.memory_space<vmem>>
          tpu.wait_dma2 semaphore(%arg15 : memref<!tpu.dma_semaphore, #tpu.memory_space<semaphore_mem>>) src(%dma_wait3A_161 : memref<64x128xf32, #tpu.memory_space<vmem>>) dst(%dma_wait3A_158 : memref<64x128xf32, #tpu.memory_space<hbm>>)
        } else {
        }
        %parallel_loop3A = arith.constant 0 : i32
        %parallel_loop3A_98 = arith.constant 128 : i32
        %parallel_loop3A_99 = arith.constant 1 : i32
        scf.for %parallel_loop3A_149 = %parallel_loop3A to %parallel_loop3A_98 step %parallel_loop3A_99  : i32 {
          %parallel_loop3A_150 = vector.broadcast %parallel_loop3A_149 : i32 to vector<16xi32>
          %parallel_loop3A_151 = arith.index_cast %parallel_loop3A_149 : i32 to index
          %parallel_loop3A_152 = arith.constant 0 : index
          %parallel_loop3A_153 = tpu.vector_load %arg7[%parallel_loop3A_151, %parallel_loop3A_152] {strides = array<i32>} : memref<128x64xf32, #tpu.memory_space<vmem>>, vector<16xf32>,
          tpu.vector_store_idx %arg9[%add3A_3, %parallel_loop3A_150], %parallel_loop3A_153 : memref<64x129xf32, #tpu.memory_space<vmem>>[vector<16xi32>, vector<16xi32>], vector<16xf32>,
          %parallel_loop3A_154 = arith.index_cast %parallel_loop3A_149 : i32 to index
          %parallel_loop3A_155 = arith.constant 16 : index
          %parallel_loop3A_156 = tpu.vector_load %arg7[%parallel_loop3A_154, %parallel_loop3A_155] {strides = array<i32>} : memref<128x64xf32, #tpu.memory_space<vmem>>, vector<16xf32>,
          tpu.vector_store_idx %arg9[%add3A_7, %parallel_loop3A_150], %parallel_loop3A_156 : memref<64x129xf32, #tpu.memory_space<vmem>>[vector<16xi32>, vector<16xi32>], vector<16xf32>,
          %parallel_loop3A_157 = arith.index_cast %parallel_loop3A_149 : i32 to index
          %parallel_loop3A_158 = arith.constant 32 : index
          %parallel_loop3A_159 = tpu.vector_load %arg7[%parallel_loop3A_157, %parallel_loop3A_158] {strides = array<i32>} : memref<128x64xf32, #tpu.memory_space<vmem>>, vector<16xf32>,
          tpu.vector_store_idx %arg9[%add3A_11, %parallel_loop3A_150], %parallel_loop3A_159 : memref<64x129xf32, #tpu.memory_space<vmem>>[vector<16xi32>, vector<16xi32>], vector<16xf32>,
          %parallel_loop3A_160 = arith.index_cast %parallel_loop3A_149 : i32 to index
          %parallel_loop3A_161 = arith.constant 48 : index
          %parallel_loop3A_162 = tpu.vector_load %arg7[%parallel_loop3A_160, %parallel_loop3A_161] {strides = array<i32>} : memref<128x64xf32, #tpu.memory_space<vmem>>, vector<16xf32>,
          tpu.vector_store_idx %arg9[%add3A_15, %parallel_loop3A_150], %parallel_loop3A_162 : memref<64x129xf32, #tpu.memory_space<vmem>>[vector<16xi32>, vector<16xi32>], vector<16xf32>,
        } {sc.loop_unroll_factor = 16 : i64, sc.parallel_access}
        %dma_start3A_100 = arith.constant 0 : i32
        %dma_start3A_101 = arith.constant 0 : i32
        %dma_start3A_102 = tpu.memref_slice %arg9[%dma_start3A_100, %dma_start3A_101] : memref<64x129xf32, #tpu.memory_space<vmem>> -> memref<64x128xf32, #tpu.memory_space<vmem>>
        %dma_start3A_103 = arith.constant 0 : i32
        %dma_start3A_104 = tpu.memref_slice %arg4[%add3A_79, %dma_start3A_103, %add3A_26] : memref<200x64x16384xf32, #tpu.memory_space<hbm>> -> memref<1x64x128xf32, #tpu.memory_space<hbm>>
        %dma_start3A_105 = tpu.memref_squeeze %dma_start3A_104 : memref<1x64x128xf32, #tpu.memory_space<hbm>> -> memref<64x128xf32, #tpu.memory_space<hbm>>
        %dma_start3A_106 = arith.constant 0 : i32
        %dma_start3A_107 = tpu.memref_slice %arg4[%add3A_79, %dma_start3A_106, %add3A_26] : memref<200x64x16384xf32, #tpu.memory_space<hbm>> -> memref<1x64x128xf32, #tpu.memory_space<hbm>>
        %dma_start3A_108 = tpu.memref_squeeze %dma_start3A_107 : memref<1x64x128xf32, #tpu.memory_space<hbm>> -> memref<64x128xf32, #tpu.memory_space<hbm>>
        %dma_start3A_109 = arith.constant 0 : i32
        %dma_start3A_110 = arith.constant 0 : i32
        %dma_start3A_111 = tpu.memref_slice %arg9[%dma_start3A_109, %dma_start3A_110] : memref<64x129xf32, #tpu.memory_space<vmem>> -> memref<64x128xf32, #tpu.memory_space<vmem>>
        tpu.enqueue_dma source(%dma_start3A_111 : memref<64x128xf32, #tpu.memory_space<vmem>>) target(%dma_start3A_108 : memref<64x128xf32, #tpu.memory_space<hbm>>) target_semaphore(%arg15 : memref<!tpu.dma_semaphore, #tpu.memory_space<semaphore_mem>>)
        %mul3A_112 = arith.constant 2 : i32
        %mul3A_113 = arith.muli %scan3A_75, %mul3A_112 : i32
        %add3A_114 = arith.constant 1 : i32
        %add3A_115 = arith.addi %mul3A_113, %add3A_114 : i32
        %dma_wait3A_116 = arith.constant 0 : i32
        %dma_wait3A_117 = arith.constant 0 : i32
        %dma_wait3A_118 = tpu.memref_slice %arg3[%dma_wait3A_116, %dma_wait3A_117] : memref<1000000x64xf32, #tpu.memory_space<hbm>> -> memref<1000000x64xf32, #tpu.memory_space<hbm>>
        tpu.wait_indirect_dma semaphore(%arg14 : memref<!tpu.dma_semaphore, #tpu.memory_space<semaphore_mem>>) src(%dma_wait3A_118 : memref<1000000x64xf32, #tpu.memory_space<hbm>>) dst(%arg8 : memref<128x64xf32, #tpu.memory_space<vmem>>)
        %lt3A_119 = arith.constant 99 : i32
        %lt3A_120 = arith.cmpi slt, %scan3A_75, %lt3A_119 : i32
        %convert_element_type3A_121 = arith.extui %lt3A_120 : i1 to i32
        %cond3A_122 = arith.constant 0 : i32
        %cond3A_123 = arith.cmpi ne, %convert_element_type3A_121, %cond3A_122 : i32
        scf.if %cond3A_123 {
          %add3A_149 = arith.constant 1 : i32
          %add3A_150 = arith.addi %add3A_115, %add3A_149 : i32
          %dma_wait3A_151 = tpu.memref_slice %arg2[%add3A_150, %add3A_26] : memref<200x16384xi32, #tpu.memory_space<hbm>> -> memref<1x128xi32, #tpu.memory_space<hbm>>
          %dma_wait3A_152 = tpu.memref_squeeze %dma_wait3A_151 : memref<1x128xi32, #tpu.memory_space<hbm>> -> memref<128xi32, #tpu.memory_space<hbm>>
          %dma_wait3A_153 = tpu.memref_slice %arg2[%add3A_150, %add3A_26] : memref<200x16384xi32, #tpu.memory_space<hbm>> -> memref<1x128xi32, #tpu.memory_space<hbm>>
          %dma_wait3A_154 = tpu.memref_squeeze %dma_wait3A_153 : memref<1x128xi32, #tpu.memory_space<hbm>> -> memref<128xi32, #tpu.memory_space<hbm>>
          tpu.wait_dma2 semaphore(%arg11 : memref<!tpu.dma_semaphore, #tpu.memory_space<semaphore_mem>>) src(%dma_wait3A_154 : memref<128xi32, #tpu.memory_space<hbm>>) dst(%arg5 : memref<128xi32, #tpu.memory_space<vmem>>)
          %dma_start3A_155 = arith.constant 0 : i32
          %dma_start3A_156 = arith.constant 0 : i32
          %dma_start3A_157 = tpu.memref_slice %arg3[%dma_start3A_155, %dma_start3A_156] : memref<1000000x64xf32, #tpu.memory_space<hbm>> -> memref<1000000x64xf32, #tpu.memory_space<hbm>>
          tpu.enqueue_indirect_dma source(%dma_start3A_157 : memref<1000000x64xf32, #tpu.memory_space<hbm>>) target(%arg7 : memref<128x64xf32, #tpu.memory_space<vmem>>) offsets(%arg5 : memref<128xi32, #tpu.memory_space<vmem>>) semaphore(%arg13 : memref<!tpu.dma_semaphore, #tpu.memory_space<semaphore_mem>>)
        } else {
        }
        %lt3A_124 = arith.constant 99 : i32
        %lt3A_125 = arith.cmpi slt, %scan3A_75, %lt3A_124 : i32
        %convert_element_type3A_126 = arith.extui %lt3A_125 : i1 to i32
        %cond3A_127 = arith.constant 0 : i32
        %cond3A_128 = arith.cmpi ne, %convert_element_type3A_126, %cond3A_127 : i32
        scf.if %cond3A_128 {
          %add3A_149 = arith.constant 2 : i32
          %add3A_150 = arith.addi %add3A_115, %add3A_149 : i32
          %dma_start3A_151 = tpu.memref_slice %arg2[%add3A_150, %add3A_26] : memref<200x16384xi32, #tpu.memory_space<hbm>> -> memref<1x128xi32, #tpu.memory_space<hbm>>
          %dma_start3A_152 = tpu.memref_squeeze %dma_start3A_151 : memref<1x128xi32, #tpu.memory_space<hbm>> -> memref<128xi32, #tpu.memory_space<hbm>>
          %dma_start3A_153 = tpu.memref_slice %arg2[%add3A_150, %add3A_26] : memref<200x16384xi32, #tpu.memory_space<hbm>> -> memref<1x128xi32, #tpu.memory_space<hbm>>
          %dma_start3A_154 = tpu.memref_squeeze %dma_start3A_153 : memref<1x128xi32, #tpu.memory_space<hbm>> -> memref<128xi32, #tpu.memory_space<hbm>>
          tpu.enqueue_dma source(%dma_start3A_154 : memref<128xi32, #tpu.memory_space<hbm>>) target(%arg6 : memref<128xi32, #tpu.memory_space<vmem>>) target_semaphore(%arg12 : memref<!tpu.dma_semaphore, #tpu.memory_space<semaphore_mem>>)
        } else {
        }
        %ge3A_129 = arith.constant 1 : i32
        %ge3A_130 = arith.cmpi sge, %scan3A_75, %ge3A_129 : i32
        %convert_element_type3A_131 = arith.extui %ge3A_130 : i1 to i32
        %cond3A_132 = arith.constant 0 : i32
        %cond3A_133 = arith.cmpi ne, %convert_element_type3A_131, %cond3A_132 : i32
        scf.if %cond3A_133 {
          %sub3A = arith.constant 2 : i32
          %sub3A_149 = arith.subi %add3A_115, %sub3A : i32
          %dma_wait3A_150 = arith.constant 0 : i32
          %dma_wait3A_151 = arith.constant 0 : i32
          %dma_wait3A_152 = tpu.memref_slice %arg10[%dma_wait3A_150, %dma_wait3A_151] : memref<64x129xf32, #tpu.memory_space<vmem>> -> memref<64x128xf32, #tpu.memory_space<vmem>>
          %dma_wait3A_153 = arith.constant 0 : i32
          %dma_wait3A_154 = tpu.memref_slice %arg4[%sub3A_149, %dma_wait3A_153, %add3A_26] : memref<200x64x16384xf32, #tpu.memory_space<hbm>> -> memref<1x64x128xf32, #tpu.memory_space<hbm>>
          %dma_wait3A_155 = tpu.memref_squeeze %dma_wait3A_154 : memref<1x64x128xf32, #tpu.memory_space<hbm>> -> memref<64x128xf32, #tpu.memory_space<hbm>>
          %dma_wait3A_156 = arith.constant 0 : i32
          %dma_wait3A_157 = tpu.memref_slice %arg4[%sub3A_149, %dma_wait3A_156, %add3A_26] : memref<200x64x16384xf32, #tpu.memory_space<hbm>> -> memref<1x64x128xf32, #tpu.memory_space<hbm>>
          %dma_wait3A_158 = tpu.memref_squeeze %dma_wait3A_157 : memref<1x64x128xf32, #tpu.memory_space<hbm>> -> memref<64x128xf32, #tpu.memory_space<hbm>>
          %dma_wait3A_159 = arith.constant 0 : i32
          %dma_wait3A_160 = arith.constant 0 : i32
          %dma_wait3A_161 = tpu.memref_slice %arg10[%dma_wait3A_159, %dma_wait3A_160] : memref<64x129xf32, #tpu.memory_space<vmem>> -> memref<64x128xf32, #tpu.memory_space<vmem>>
          tpu.wait_dma2 semaphore(%arg16 : memref<!tpu.dma_semaphore, #tpu.memory_space<semaphore_mem>>) src(%dma_wait3A_161 : memref<64x128xf32, #tpu.memory_space<vmem>>) dst(%dma_wait3A_158 : memref<64x128xf32, #tpu.memory_space<hbm>>)
        } else {
        }
        %parallel_loop3A_134 = arith.constant 0 : i32
        %parallel_loop3A_135 = arith.constant 128 : i32
        %parallel_loop3A_136 = arith.constant 1 : i32
        scf.for %parallel_loop3A_149 = %parallel_loop3A_134 to %parallel_loop3A_135 step %parallel_loop3A_136  : i32 {
          %parallel_loop3A_150 = vector.broadcast %parallel_loop3A_149 : i32 to vector<16xi32>
          %parallel_loop3A_151 = arith.index_cast %parallel_loop3A_149 : i32 to index
          %parallel_loop3A_152 = arith.constant 0 : index
          %parallel_loop3A_153 = tpu.vector_load %arg8[%parallel_loop3A_151, %parallel_loop3A_152] {strides = array<i32>} : memref<128x64xf32, #tpu.memory_space<vmem>>, vector<16xf32>,
          tpu.vector_store_idx %arg10[%add3A_3, %parallel_loop3A_150], %parallel_loop3A_153 : memref<64x129xf32, #tpu.memory_space<vmem>>[vector<16xi32>, vector<16xi32>], vector<16xf32>,
          %parallel_loop3A_154 = arith.index_cast %parallel_loop3A_149 : i32 to index
          %parallel_loop3A_155 = arith.constant 16 : index
          %parallel_loop3A_156 = tpu.vector_load %arg8[%parallel_loop3A_154, %parallel_loop3A_155] {strides = array<i32>} : memref<128x64xf32, #tpu.memory_space<vmem>>, vector<16xf32>,
          tpu.vector_store_idx %arg10[%add3A_7, %parallel_loop3A_150], %parallel_loop3A_156 : memref<64x129xf32, #tpu.memory_space<vmem>>[vector<16xi32>, vector<16xi32>], vector<16xf32>,
          %parallel_loop3A_157 = arith.index_cast %parallel_loop3A_149 : i32 to index
          %parallel_loop3A_158 = arith.constant 32 : index
          %parallel_loop3A_159 = tpu.vector_load %arg8[%parallel_loop3A_157, %parallel_loop3A_158] {strides = array<i32>} : memref<128x64xf32, #tpu.memory_space<vmem>>, vector<16xf32>,
          tpu.vector_store_idx %arg10[%add3A_11, %parallel_loop3A_150], %parallel_loop3A_159 : memref<64x129xf32, #tpu.memory_space<vmem>>[vector<16xi32>, vector<16xi32>], vector<16xf32>,
          %parallel_loop3A_160 = arith.index_cast %parallel_loop3A_149 : i32 to index
          %parallel_loop3A_161 = arith.constant 48 : index
          %parallel_loop3A_162 = tpu.vector_load %arg8[%parallel_loop3A_160, %parallel_loop3A_161] {strides = array<i32>} : memref<128x64xf32, #tpu.memory_space<vmem>>, vector<16xf32>,
          tpu.vector_store_idx %arg10[%add3A_15, %parallel_loop3A_150], %parallel_loop3A_162 : memref<64x129xf32, #tpu.memory_space<vmem>>[vector<16xi32>, vector<16xi32>], vector<16xf32>,
        } {sc.loop_unroll_factor = 16 : i64, sc.parallel_access}
        %dma_start3A_137 = arith.constant 0 : i32
        %dma_start3A_138 = arith.constant 0 : i32
        %dma_start3A_139 = tpu.memref_slice %arg10[%dma_start3A_137, %dma_start3A_138] : memref<64x129xf32, #tpu.memory_space<vmem>> -> memref<64x128xf32, #tpu.memory_space<vmem>>
        %dma_start3A_140 = arith.constant 0 : i32
        %dma_start3A_141 = tpu.memref_slice %arg4[%add3A_115, %dma_start3A_140, %add3A_26] : memref<200x64x16384xf32, #tpu.memory_space<hbm>> -> memref<1x64x128xf32, #tpu.memory_space<hbm>>
        %dma_start3A_142 = tpu.memref_squeeze %dma_start3A_141 : memref<1x64x128xf32, #tpu.memory_space<hbm>> -> memref<64x128xf32, #tpu.memory_space<hbm>>
        %dma_start3A_143 = arith.constant 0 : i32
        %dma_start3A_144 = tpu.memref_slice %arg4[%add3A_115, %dma_start3A_143, %add3A_26] : memref<200x64x16384xf32, #tpu.memory_space<hbm>> -> memref<1x64x128xf32, #tpu.memory_space<hbm>>
        %dma_start3A_145 = tpu.memref_squeeze %dma_start3A_144 : memref<1x64x128xf32, #tpu.memory_space<hbm>> -> memref<64x128xf32, #tpu.memory_space<hbm>>
        %dma_start3A_146 = arith.constant 0 : i32
        %dma_start3A_147 = arith.constant 0 : i32
        %dma_start3A_148 = tpu.memref_slice %arg10[%dma_start3A_146, %dma_start3A_147] : memref<64x129xf32, #tpu.memory_space<vmem>> -> memref<64x128xf32, #tpu.memory_space<vmem>>
        tpu.enqueue_dma source(%dma_start3A_148 : memref<64x128xf32, #tpu.memory_space<vmem>>) target(%dma_start3A_145 : memref<64x128xf32, #tpu.memory_space<hbm>>) target_semaphore(%arg16 : memref<!tpu.dma_semaphore, #tpu.memory_space<semaphore_mem>>)
      }
      %scan3A_48 = arith.constant 100 : i32
      %dma_wait3A_49 = arith.constant 198 : i32
      %dma_wait3A_50 = arith.constant 0 : i32
      %dma_wait3A_51 = arith.constant 0 : i32
      %dma_wait3A_52 = tpu.memref_slice %arg9[%dma_wait3A_50, %dma_wait3A_51] : memref<64x129xf32, #tpu.memory_space<vmem>> -> memref<64x128xf32, #tpu.memory_space<vmem>>
      %dma_wait3A_53 = arith.constant 0 : i32
      %dma_wait3A_54 = tpu.memref_slice %arg4[%dma_wait3A_49, %dma_wait3A_53, %add3A_26] : memref<200x64x16384xf32, #tpu.memory_space<hbm>> -> memref<1x64x128xf32, #tpu.memory_space<hbm>>
      %dma_wait3A_55 = tpu.memref_squeeze %dma_wait3A_54 : memref<1x64x128xf32, #tpu.memory_space<hbm>> -> memref<64x128xf32, #tpu.memory_space<hbm>>
      %dma_wait3A_56 = arith.constant 0 : i32
      %dma_wait3A_57 = tpu.memref_slice %arg4[%dma_wait3A_49, %dma_wait3A_56, %add3A_26] : memref<200x64x16384xf32, #tpu.memory_space<hbm>> -> memref<1x64x128xf32, #tpu.memory_space<hbm>>
      %dma_wait3A_58 = tpu.memref_squeeze %dma_wait3A_57 : memref<1x64x128xf32, #tpu.memory_space<hbm>> -> memref<64x128xf32, #tpu.memory_space<hbm>>
      %dma_wait3A_59 = arith.constant 0 : i32
      %dma_wait3A_60 = arith.constant 0 : i32
      %dma_wait3A_61 = tpu.memref_slice %arg9[%dma_wait3A_59, %dma_wait3A_60] : memref<64x129xf32, #tpu.memory_space<vmem>> -> memref<64x128xf32, #tpu.memory_space<vmem>>
      tpu.wait_dma2 semaphore(%arg15 : memref<!tpu.dma_semaphore, #tpu.memory_space<semaphore_mem>>) src(%dma_wait3A_61 : memref<64x128xf32, #tpu.memory_space<vmem>>) dst(%dma_wait3A_58 : memref<64x128xf32, #tpu.memory_space<hbm>>)
      %dma_wait3A_62 = arith.constant 199 : i32
      %dma_wait3A_63 = arith.constant 0 : i32
      %dma_wait3A_64 = arith.constant 0 : i32
      %dma_wait3A_65 = tpu.memref_slice %arg10[%dma_wait3A_63, %dma_wait3A_64] : memref<64x129xf32, #tpu.memory_space<vmem>> -> memref<64x128xf32, #tpu.memory_space<vmem>>
      %dma_wait3A_66 = arith.constant 0 : i32
      %dma_wait3A_67 = tpu.memref_slice %arg4[%dma_wait3A_62, %dma_wait3A_66, %add3A_26] : memref<200x64x16384xf32, #tpu.memory_space<hbm>> -> memref<1x64x128xf32, #tpu.memory_space<hbm>>
      %dma_wait3A_68 = tpu.memref_squeeze %dma_wait3A_67 : memref<1x64x128xf32, #tpu.memory_space<hbm>> -> memref<64x128xf32, #tpu.memory_space<hbm>>
      %dma_wait3A_69 = arith.constant 0 : i32
      %dma_wait3A_70 = tpu.memref_slice %arg4[%dma_wait3A_62, %dma_wait3A_69, %add3A_26] : memref<200x64x16384xf32, #tpu.memory_space<hbm>> -> memref<1x64x128xf32, #tpu.memory_space<hbm>>
      %dma_wait3A_71 = tpu.memref_squeeze %dma_wait3A_70 : memref<1x64x128xf32, #tpu.memory_space<hbm>> -> memref<64x128xf32, #tpu.memory_space<hbm>>
      %dma_wait3A_72 = arith.constant 0 : i32
      %dma_wait3A_73 = arith.constant 0 : i32
      %dma_wait3A_74 = tpu.memref_slice %arg10[%dma_wait3A_72, %dma_wait3A_73] : memref<64x129xf32, #tpu.memory_space<vmem>> -> memref<64x128xf32, #tpu.memory_space<vmem>>
      tpu.wait_dma2 semaphore(%arg16 : memref<!tpu.dma_semaphore, #tpu.memory_space<semaphore_mem>>) src(%dma_wait3A_74 : memref<64x128xf32, #tpu.memory_space<vmem>>) dst(%dma_wait3A_71 : memref<64x128xf32, #tpu.memory_space<hbm>>)
    }
    %scan3A_20 = arith.constant 4 : i32
    return
  }
}

</mosaic_0001>

<sc_bundles>
// kernel: kernel.3.cloned.1.call-start
scs
__scs_entry_jumppad:
0x0: {  	(pc) =	sbr.rel $0x88, $3  }
0x1: {  	(tag) =	ssettag $0x0;
	lr =	simm.s32 $0x1  }
0x2: {  	[smem:$0x3F9F] =	sst lr;
	_ =	strace $0xD0000000  }
0x3: {  	_ = 	snop  }
0x4: {  	_ = 	snop  }
0x5: {  	_ = 	snop  }
0x6: {  	_ = 	snop  }
0x7: {  	_ = 	snop  }
__scs_overlays_trampoline_lowered:
0x8: {  	[smem:$0x3FAE] =	sst s0  }
0x9: {  	[smem:$0x3FAF] =	sst s1  }
0xa: {  	[smem:$0x3FB0] =	sst s2  }
0xb: {  	[smem:$0x3FB1] =	sst s3  }
0xc: {  	[smem:$0x3FB2] =	sst s4  }
0xd: {  	[smem:$0x3FB3] =	sst s5  }
0xe: {  	[smem:$0x3FB4] =	sst s6  }
0xf: {  	[smem:$0x3FB5] =	sst s7  }
0x10: {  	[smem:$0x3FB6] =	sst s8  }
0x11: {  	[smem:$0x3FB7] =	sst s9;
	s0 =	simm.s32 @!p0 $0x0  }
0x12: {  	s1 =	sld [smem:$0x3F9D];
	s0 =	simm.s32 @p0 $0x1  }
0x13: {  	[smem:$0x3FB8] =	sst s0;
	s0 =	simm.s32 @!p1 $0x0  }
0x14: {  	s2 =	sld [smem:$0x3F9C];
	s0 =	simm.s32 @p1 $0x1  }
0x15: {  	[smem:$0x3FB9] =	sst s0;
	s0 =	simm.s32 @!p2 $0x0  }
0x16: {  	s3 =	sld [smem:$0x3FDB];
	s0 =	simm.s32 @p2 $0x1  }
0x17: {  	s4 =	simm.s32 $0x1BF5;
	[smem:$0x3FBB] =	sst s0  }
0x18: {  	s0 =	sld [smem:$0x3F9E];
	_ =	swait.ge [sflag:s4], $0x0  }
0x19: {  	s7 =	sld [smem:$0x3F9F]  }
0x1a: {  	s8 =	sadd.s32 $0xFFFFE003, lr  }
0x1b: {  	s9 =	sadd.s32 $0xFFFFFEF7, lr;
	s5 =	simm.s32 $0xFFFFFFFF;
	p2 =	slt.u32 s8, $0xFFFFF086  }
0x1c: {  	p1 =	slt.u32 s9, $0xF7A;
	s5 =	simm.s32 @!p2 $0x0  }
0x1d: {  	s5 =	simm.s32 @p1 $0x1;
	p0 =	seq.s32 s7, s2  }
0x1e: {  	s7 =	smul.u32 @!p0 $0xF7A, s2;
	p2 =	seq.s32 @!p0 s5, $0x0  }
0x1f: {  	s9 =	smul.u32 $0xF7A, s1;
	s8 =	simm.s32 @!p0 $0x1BF5;
	p2 =	por !p2, p0  }
0x20: {  	[sflag:s8] =	ssyncset.s32 @!p0 $0xFFFFF086;
	s6 =	sadd.s32 @!p0 s3, s7;
	s7 =	simm.s32 @!p0 $0x108  }
0x21: {  	s3 =	sadd.s32 s3, s9;
	s6 =	sadd.s32 @!p0 $0x88, s6;
	s7 =	simm.s32 @p2 $0x1082  }
0x22: {  	[simem:s7], [sflag:s8] =	dma.local @!p0 [hbm:s6], $0xF7A  }
0x23: {  	s9 =	sor.u32 $0xD0000000, s2;
	s6 =	simm.s32 $0x108;
	_ =	swait.ge @!p0 [sflag:s8], $0x0  }
0x24: {  	s3 =	sadd.s32 $0x88, s3;
	s6 =	simm.s32 @!p1 $0x1082;
	[sflag:s4] =	ssyncset.s32 $0xFFFFF086  }
0x25: {  	[simem:s6], [sflag:s4] =	dma.local [hbm:s3], $0xF7A  }
0x26: {  	[smem:$0x3F9F] =	sst s1;
	(tag) =	ssettag s2;
	_ =	strace s9  }
0x27: {  	s1 =	sld [smem:$0x3FAF]  }
0x28: {  	s2 =	sld [smem:$0x3FB0]  }
0x29: {  	s4 =	sld [smem:$0x3FB2]  }
0x2a: {  	p0 =	seq.s32 s5, $0x0;
	s5 =	sld [smem:$0x3FB3]  }
0x2b: {  	s6 =	sld [smem:$0x3FB4]  }
0x2c: {  	s7 =	sld [smem:$0x3FB5]  }
0x2d: {  	s3 =	simm.s32 $0x108;
	s8 =	sld [smem:$0x3FB6]  }
0x2e: {  	s3 =	simm.s32 @!p0 $0x1082;
	s9 =	sld [smem:$0x3FB7]  }
0x2f: {  	lr =	sadd.s32 s0, s3;
	s0 =	sld [smem:$0x3FAE]  }
0x30: {  	s3 =	sld [smem:$0x3FB1]  }
0x31: {  	[smem:$0x3FBA] =	sst s10  }
0x32: {  	s10 =	sld [smem:$0x3FB8];
	_ =	sdelay $0x3  }
0x33: {  	p0 =	seq.s32 s10, $0x1;
	s10 =	sld [smem:$0x3FBA];
	_ =	sdelay $0x3  }
0x34: {  	[smem:$0x3FBA] =	sst s10  }
0x35: {  	s10 =	sld [smem:$0x3FB9];
	_ =	sdelay $0x3  }
0x36: {  	p1 =	seq.s32 s10, $0x1;
	s10 =	sld [smem:$0x3FBA];
	_ =	sdelay $0x3  }
0x37: {  	[smem:$0x3FBA] =	sst s10  }
0x38: {  	s10 =	sld [smem:$0x3FBB]  }
0x39: {  	_ = 	snop;
	(pc) =	sbr.ind lr, $3  }
0x3a: {  	_ = 	snop  }
0x3b: {  	_ = 	snop  }
0x3c: {  	p2 =	seq.s32 s10, $0x1;
	s10 =	sld [smem:$0x3FBA]  }
0x3d: {  	_ =	shalt  }
0x3e: {  	_ =	shalt  }
0x3f: {  	_ =	shalt  }
0x40: {  	_ =	shalt  }
0x41: {  	_ =	shalt  }
0x42: {  	_ =	shalt  }
0x43: {  	_ =	shalt  }
0x44: {  	_ =	shalt  }
0x45: {  	_ =	shalt  }
0x46: {  	_ =	shalt  }
0x47: {  	_ =	shalt  }
0x48: {  	_ =	shalt  }
0x49: {  	_ =	shalt  }
0x4a: {  	_ =	shalt  }
0x4b: {  	_ =	shalt  }
0x4c: {  	_ =	shalt  }
0x4d: {  	_ =	shalt  }
0x4e: {  	_ =	shalt  }
0x4f: {  	_ =	shalt  }
0x50: {  	_ =	shalt  }
0x51: {  	_ =	shalt  }
0x52: {  	_ =	shalt  }
0x53: {  	_ =	shalt  }
0x54: {  	_ =	shalt  }
0x55: {  	_ =	shalt  }
0x56: {  	_ =	shalt  }
0x57: {  	_ =	shalt  }
0x58: {  	_ =	shalt  }
0x59: {  	_ =	shalt  }
0x5a: {  	_ =	shalt  }
0x5b: {  	_ =	shalt  }
0x5c: {  	_ =	shalt  }
0x5d: {  	_ =	shalt  }
0x5e: {  	_ =	shalt  }
0x5f: {  	_ =	shalt  }
0x60: {  	_ =	shalt  }
0x61: {  	_ =	shalt  }
0x62: {  	_ =	shalt  }
0x63: {  	_ =	shalt  }
0x64: {  	_ =	shalt  }
0x65: {  	_ =	shalt  }
0x66: {  	_ =	shalt  }
0x67: {  	_ =	shalt  }
0x68: {  	_ =	shalt  }
0x69: {  	_ =	shalt  }
0x6a: {  	_ =	shalt  }
0x6b: {  	_ =	shalt  }
0x6c: {  	_ =	shalt  }
0x6d: {  	_ =	shalt  }
0x6e: {  	_ =	shalt  }
0x6f: {  	_ =	shalt  }
0x70: {  	_ =	shalt  }
0x71: {  	_ =	shalt  }
0x72: {  	_ =	shalt  }
0x73: {  	_ =	shalt  }
0x74: {  	_ =	shalt  }
0x75: {  	_ =	shalt  }
0x76: {  	_ =	shalt  }
0x77: {  	_ =	shalt  }
0x78: {  	_ =	shalt  }
0x79: {  	_ =	shalt  }
0x7a: {  	_ =	shalt  }
0x7b: {  	_ =	shalt  }
0x7c: {  	_ =	shalt  }
0x7d: {  	_ =	shalt  }
0x7e: {  	_ =	shalt  }
0x7f: {  	_ =	shalt  }
0x80: {  	_ =	shalt  }
0x81: {  	_ =	shalt  }
0x82: {  	_ =	shalt  }
0x83: {  	_ =	shalt  }
0x84: {  	_ =	shalt  }
0x85: {  	_ =	shalt  }
0x86: {  	_ =	shalt  }
0x87: {  	_ =	shalt  }
.Lfunc_end0:
.L_simem_size_0:
called_computation_lowered:
.L_overlay_start_0:
0x88: {  	s2 =	sld [smem:$0x3FD9]  }
0x89: {  	s3 =	sld [smem:$0x3FFE];
	_ =	sdelay $0x1  }
0x8a: {  	s1 =	srdreg.scid  }
0x8b: {  	s0 =	sand.u32 $0x1, s1  }
0x8c: {  	s16 =	sshll.u32 s0, $0xA;
	s2 =	sadd.s32 s3, s2  }
0x8d: {  	s2 =	sadd.s32 s2, s16  }
0x8e: {  	[smem:$0x3FC6] =	sst s2  }
0x8f: {  	_ = 	snop  }
0x90: {  	(tm) =	ssettm $0x1  }
0x91: {  	s17 =	sld [smem:$0x3FFB];
	_ =	sdelay $0x3  }
0x92: {  	_ =	strace s17  }
0x93: {  	s2 =	sld [smem:$0x3FFC];
	_ =	sdelay $0x3  }
0x94: {  	_ =	strace s2  }
0x95: {  	s2 =	sld [smem:$0x3FFD];
	_ =	sdelay $0x3  }
0x96: {  	_ =	strace s2  }
0x97: {  	_ =	strace $0x8FFFFFFF  }
0x98: {  	s18 =	sld [smem:$0x3FDB];
	_ =	sdelay $0x1  }
0x99: {  	s19 =	simm.s32 $_scs_section_size  }
0x9a: {  	s4 =	simm.s32 $_size__tile_overlayer_lowered;
	s5 =	simm.s32 $_tile_overlayer_lowered  }
0x9b: {  	s22 =	simm.s32 $0x1BFF;
	s21 =	sshll.u32 s5, $0x1;
	s2 =	sadd.s32 s19, s18  }
0x9c: {  	s6 =	simm.s32 $0x0;
	s20 =	sshll.u32 s4, $0x1;
	s4 =	sadd.s32 s21, s2  }
0x9d: {  	[timem:s6], [sflag:s22] =	dma.local [hbm:s4], s20  }
0x9e: {  	_ =	swait.ge [sflag:s22], s20  }
0x9f: {  	s3 =	ssub.s32 $0x0, s20;
	[sflag:s22] =	ssyncset.done $0x0  }
0xa0: {  	[sflag:s22] =	ssyncadd.s32 s3;
	_ =	sdelay $0x1  }
0xa1: {  	s23 =	simm.s32 $0x1B8B  }
0xa2: {  	_ =	swait.ge [sflag:s23], $0x1  }
0xa3: {  	[sflag:s23] =	ssyncset.done $0x0  }
0xa4: {  	s25 =	simm.s32 $0x1B8E;
	s24 =	sld [smem:$0x3FFE];
	[sflag:s23] =	ssyncadd.s32 $0xFFFFFFFF  }
0xa5: {  	s26 =	simm.s32 $execute0_lowered;
	[smem:$0x3FD2] =	sst s25  }
0xa6: {  	s4 =	sshll.u32 s26, $0x1;
	_ =	strace $0x80000046;
	[dreg:$0x1] =	wrdreg $0xFFFFFFFF  }
0xa7: {  	s28 =	simm.s32 $_size_execute0_lowered;
	s2 =	sadd.s32 s2, s4;
	[dreg:$0x0] =	wrdreg $0x0  }
0xa8: {  	s4 =	sshll.u32 s28, $0x1;
	[dreg:$0x2] =	wrdreg s2  }
0xa9: {  	[dreg:$0x3] =	wrdreg s4  }
0xaa: {  	[dreg:$0x4] =	wrdreg $0xC0  }
0xab: {  	_ =	task [dreg:s6], $0x5FFFF  }
0xac: {  	[dreg:$0x1] =	wrdreg $0xFFFFFFFF  }
0xad: {  	[dreg:$0x0] =	wrdreg $0x60  }
0xae: {  	[dreg:$0x2] =	wrdreg s24  }
0xaf: {  	[dreg:$0x3] =	wrdreg $0x9  }
0xb0: {  	_ =	task.clear_ibuf [dreg:s6], $0x4FFFF;
	_ =	strace $0x90000046  }
0xb1: {  	s29 =	simm.s32 $0x9;
	_ =	strace $0x80000048  }
0xb2: {  	_ =	swait.ge [sflag:s29], $0x1  }
0xb3: {  	[sflag:s29] =	ssyncadd.s32 $0xFFFFFFFF  }
0xb4: {  	_ =	strace $0x90000048  }
0xb5: {  	_ =	sfence  }
0xb6: {  	s30 =	sld [smem:$0x0];
	_ =	sdelay $0x2  }
0xb7: {  	s31 =	sshll.u32 s1, $0xD;
	s1 =	sshrl.u32 s1, $0x2  }
0xb8: {  	s3 =	sand.u32 $0x4000, s31;
	s1 =	sadd.s32 s1, s30  }
0xb9: {  	s0 =	sor.u32 s3, s0;
	s1 =	sshll.u32 s1, $0x11  }
0xba: {  	s0 =	sor.u32 s1, s0  }
0xbb: {  	s0 =	sadd.s32 $0x8F2B, s0  }
0xbc: {  	[sflag:s0] =	ssyncadd.remote.s32 $0x1  }
0xbd: {  	_ =	sfence.sel $0xFFFF  }
0xbe: {  	[dreg:$0x0] =	wrdreg $0xFFFFFFFF;
	(pc) =	sbr.abs _section_cstart, $3  }
0xbf: {  	[dreg:$0x1] =	wrdreg $0xFFFFFFFF  }
0xc0: {  	_ =	task.clear_ibuf [dreg:s6], $0x2FFFF;
	_ =	strace $0x9FFFFFFF  }
0xc1: {  	(tm) =	ssettm $0x7FFFFFFF  }
tec
execute0_lowered:
.L_overlay_start_1:
0x0: {  	(tag) =	ssettag $0x1  }
0x1: {  	v0 =	vlaneseq.u32  }
0x2: {  	v12 =	vmul.u32 $0x88, v0;
	_ =	sdelay $0x1  }
0x3: {  	s1 =	simm.s32 $0x0;
	v0 =	vadd.s32 $0x1980, v12  }
0x4: {  	[smem:$0x7FF] =	sst s1;
	[tilespmem:$0x1FEC0] =	vst v0;
	v0 =	vadd.s32 $0x1983, v12  }
0x5: {  	s7 =	rddreg [dreg:$0x0];
	v3 =	vadd.s32 $0x1985, v12;
	_ =	strace $0x80000047;
	[tilespmem:$0x1FED0] =	vst v0  }
0x6: {  	v5 =	vadd.s32 $0x1986, v12;
	[tilespmem:$0x1FEF0] =	vst v3  }
0x7: {  	v6 =	vadd.s32 $0x887, v12;
	[tilespmem:$0x1FF10] =	vst v5  }
0x8: {  	v15 =	vadd.s32 $0x886, v12;
	[tilespmem:$0x1FF20] =	vst v6  }
0x9: {  	v27 =	vadd.s32 $0x1106, v12;
	[tilespmem:$0x1FF60] =	vst v15  }
0xa: {  	v2 =	vadd.s32 $0x885, v12;
	[tilespmem:$0x1FF70] =	vst v27  }
0xb: {  	v28 =	vor.u32 $0x4, v12;
	[tilespmem:$0x1FF90] =	vst v2  }
0xc: {  	v30 =	vadd.s32 $0x1104, v12;
	[tilespmem:$0x1FFA0] =	vst v28  }
0xd: {  	v29 =	vadd.s32 $0x884, v12;
	[tilespmem:$0x1FFB0] =	vst v30  }
0xe: {  	v31 =	vor.u32 $0x3, v12;
	[tilespmem:$0x1FFC0] =	vst v29  }
0xf: {  	s2 =	srdreg.scid;
	s0 =	stileid.u32;
	v25 =	vadd.s32 $0x883, v12;
	[tilespmem:$0x1FFD0] =	vst v31  }
0x10: {  	s10 =	simm.s32 $0x80;
	s11 =	simm.s32 $0x100;
	s12 =	simm.s32 $0x3;
	v26 =	vadd.s32 $0x1103, v12;
	[tilespmem:$0x1FFE0] =	vst v25  }
0x11: {  	v1 =	vimm.s32 $0x0;
	vm0 =	vcmask $0x300;
	s13 =	simm.s32 $0x2;
	s14 =	simm.s32 $0x2100;
	s15 =	simm.s32 $0x4100;
	v0 =	vadd.s32 $0x1984, v12;
	[tilespmem:$0x1FFF0] =	vst v26  }
0x12: {  	s16 =	simm.s32 $0x4;
	s17 =	simm.s32 $0x6300;
	s18 =	simm.s32 $0x5;
	v1 =	vsel vm0, $0x3, v1;
	v3 =	vor.u32 $0x6, v12;
	[tilespmem:$0x1FEE0] =	vst v0  }
0x13: {  	s19 =	simm.s32 $0x6;
	s20 =	simm.s32 $0x0;
	s6 =	sand.u32 $0x1, s2;
	v13 =	vadd.s32 $0x880, v12;
	v14 =	vadd.s32 $0x1100, v12;
	v6 =	vadd.s32 $0x1107, v12;
	[tilespmem:$0x1FF00] =	vst v3  }
0x14: {  	s2 =	sadd.s32 $0x400, s7;
	s5 =	sadd.s32 $0x805600, s7;
	s8 =	ssub.s32 $0x2, s6;
	v16 =	vor.u32 $0x1, v12;
	v17 =	vadd.s32 $0x881, v12;
	v5 =	vor.u32 $0x7, v12;
	[tilespmem:$0x1FF30] =	vst v6  }
0x15: {  	s3 =	sadd.s32 $0x64400, s7;
	s31 =	sshll.u32 s0, $0xA;
	v18 =	vadd.s32 $0x1101, v12;
	v19 =	vadd.s32 $0x1981, v12;
	s9 =	sshrl.u32 s8, $0x1;
	v6 =	vadd.s32 $0x1987, v12;
	[tilespmem:$0x1FF50] =	vst v5  }
0x16: {  	s7 =	sadd.s32 $0xC00, s7;
	s6 =	sshll.u32 s6, $0x9;
	v20 =	vor.u32 $0x2, v12;
	v21 =	vadd.s32 $0x882, v12;
	s8 =	ssub.s32 s8, s9;
	v0 =	vor.u32 $0x5, v12;
	[tilespmem:$0x1FF40] =	vst v6  }
0x17: {  	v22 =	vadd.s32 $0x1102, v12;
	v23 =	vadd.s32 $0x1982, v12;
	s6 =	sor.u32 s6, s31;
	v32 =	vadd.s32 $0x1105, v12;
	s9 =	simm.s32 $0x1;
	s8 =	smax.u32 s8, $0x1;
	[tilespmem:$0x1FF80] =	vst v0  }
.LBB2_1:
0x18: {  	s21 =	simm.s32 $0x0  }
.LBB2_2:
0x19: {  	s22 =	sshll.u32 s21, $0x7  }
0x1a: {  	s22 =	sadd.s32 s6, s22  }
0x1b: {  	s24 =	sshrl.u32 s22, $0x3  }
0x1c: {  	s23 =	simm.s32 $0x0;
	s25 =	sadd.s32 s2, s24  }
0x1d: {  	[tilespmem:s23], [sflag:$0x1] =	stream.linear.gather [hbm4b:s25+s23], $0x80, $0x38;
	[tilespmem:$0x8500] =	vst v63  }
0x1e: {  	_ =	swait.ge [sflag:s9], $0x80  }
0x1f: {  	[sflag:s9] =	ssyncset.done $0x0  }
0x20: {  	[sflag:s9] =	ssyncadd.s32 $0xFFFFFF80  }
0x21: {  	[tilespmem:s11], [sflag:$0x3] =	stream.indirect.gather [hbm4b:s3+s10], $0x40, s23, s10, $0xb8;
	[tilespmem:$0x8500] =	vst v63  }
0x22: {  	s24 =	sadd.s32 s24, s7  }
0x23: {  	[tilespmem:s10], [sflag:$0x2] =	stream.linear.gather [hbm4b:s24+s23], $0x80, $0x38;
	[tilespmem:$0x8500] =	vst v63  }
0x24: {  	s25 =	sadd.s32 $0xC000, s22;
	s24 =	sadd.s32 $0x8000, s22  }
.LBB2_3:
0x25: {  	_ =	swait.ge [sflag:s12], $0x2000  }
0x26: {  	p1 =	seq.s32 s23, $0x63;
	[sflag:s12] =	ssyncset.done $0x0  }
0x27: {  	p0 =	seq.s32 @!p1 s23, $0x0;
	[sflag:s12] =	ssyncadd.s32 $0xFFFFE000  }
0x28: {  	s26 =	sshll.u32 @!p1 s23, $0xF;
	p0 =	por p1, !p0;
	_ =	swait.ge [sflag:s13], $0x80  }
.Ltmp0:
0x29: {  	s28 =	sadd.s32 @!p1 s24, s26;
	[sflag:s13] =	ssyncset.done $0x0;
	(pc) =	sbr.rel @!p0 .LBB2_4-.Ltmp0, $4  }
0x2a: {  	s28 =	sshrl.u32 @!p1 s28, $0x3;
	[sflag:s13] =	ssyncadd.s32 $0xFFFFFF80  }
0x2b: {  	[tilespmem:s14], [sflag:$0x4] =	stream.indirect.gather [hbm4b:s3+s10], $0x40, s10, s10, $0xb8;
	[tilespmem:$0x8500] =	vst v63  }
0x2c: {  	s29 =	simm.s32 @!p1 $0x0;
	s28 =	sadd.s32 @!p1 s2, s28  }
0x2d: {  	[tilespmem:s29], [sflag:$0x1] =	stream.linear.gather @!p1 [hbm4b:s28+s29], $0x80, $0x38;
	[tilespmem:$0x8500] =	vst v63  }
.Ltmp1:
0x2e: {  	(pc) =	sbr.rel .LBB2_6-.Ltmp1, $4  }
0x2f: {  	_ = 	snop  }
0x30: {  	_ =	swait.ge [sflag:s18], $0x2000  }
0x31: {  	[sflag:s18] =	ssyncset.done $0x0  }
0x32: {  	p0 =	por $0x0, $0x0;
	[sflag:s18] =	ssyncadd.s32 $0xFFFFE000  }
.LBB2_4:
0x33: {  	p0 =	por @!p1 $0x1, $0x1  }
.LBB2_6:
0x34: {  	s28 =	simm.s32 $0x0  }
0x35: {  	v33 =	vmov s28;
	s28 =	simm.s32 $0x1  }
0x36: {  	v34 =	vmov s28;
	s28 =	simm.s32 $0x2  }
0x37: {  	v35 =	vmov s28;
	s28 =	simm.s32 $0x5  }
0x38: {  	v38 =	vmov s28;
	s28 =	simm.s32 $0x8  }
0x39: {  	v41 =	vmov s28;
	s28 =	simm.s32 $0xB  }
0x3a: {  	v44 =	vmov s28;
	s28 =	simm.s32 $0xE  }
0x3b: {  	v50 =	vmov s28;
	s28 =	simm.s32 $0xF  }
0x3c: {  	v33 =	vshrl.u32 v33, $0x3;
	v45 =	vmov s28  }
0x3d: {  	v33 =	vshll.u32 v33, v1;
	v45 =	vshrl.u32 v45, $0x3  }
0x3e: {  	v33 =	vbroadcast v33, $0x0;
	v62 =	vshll.u32 v45, v1  }
0x3f: {  	s28 =	simm.s32 $0x300;
	v55 =	vbroadcast v62, $0x0  }
0x40: {  	v35 =	vshrl.u32 v35, $0x3;
	v7 =	vadd.s32 v12, v33;
	v6 =	vld [tilespmem:s28+$0xFFFFFE00]  }
0x41: {  	v34 =	vshrl.u32 v34, $0x3;
	v63 =	vshll.u32 v35, v1;
	v35 =	vld [tilespmem:s28+$0x1C0];
	v4 =	vadd.s32 v5, v55  }
0x42: {  	s29 =	simm.s32 $0x3;
	v34 =	vshll.u32 v34, v1  }
0x43: {  	s30 =	simm.s32 $0x4;
	v36 =	vmov s29;
	v47 =	vbroadcast v34, $0x0  }
0x44: {  	v37 =	vmov s30;
	v36 =	vshrl.u32 v36, $0x3;
	v46 =	vbroadcast v63, $0x0  }
0x45: {  	v37 =	vshrl.u32 v37, $0x3;
	v9 =	vshll.u32 v36, v1;
	v57 =	vadd.s32 v16, v47;
	v36 =	vld [tilespmem:s28+$0xFFFFFE40];
	[tilespmem:v7+s15+$0x0] =	vst.idx.msk $0xffff, v6  }
0x46: {  	s29 =	simm.s32 $0x6;
	v10 =	vshll.u32 v37, v1;
	v58 =	vadd.s32 v20, v46;
	v37 =	vld [tilespmem:s28+$0xFFFFFE80];
	[tilespmem:v4+s15+$0x0] =	vst.idx.msk $0xffff, v35  }
0x47: {  	v39 =	vmov s29;
	v38 =	vshrl.u32 v38, $0x3;
	v45 =	vbroadcast v9, $0x0;
	v6 =	vld [tilespmem:$0x1FF20]  }
0x48: {  	v38 =	vshll.u32 v38, v1;
	v34 =	vshrl.u32 v44, $0x3;
	v44 =	vld [tilespmem:s28+$0xFFFFFEC0];
	v9 =	vbroadcast v10, $0x0  }
0x49: {  	s30 =	simm.s32 $0x7;
	v51 =	vshrl.u32 v39, $0x3;
	v60 =	vld [tilespmem:s28+$0xFFFFFF00];
	v10 =	vbroadcast v38, $0x0;
	v59 =	vadd.s32 v31, v45  }
0x4a: {  	v40 =	vmov s30;
	v11 =	vshll.u32 v51, v1;
	v61 =	vadd.s32 v28, v9;
	v51 =	vld [tilespmem:s28+$0x1D0];
	[tilespmem:v57+s15+$0x0] =	vst.idx.msk $0xffff, v36  }
0x4b: {  	v52 =	vshrl.u32 v40, $0x3;
	v36 =	vld [tilespmem:s28+$0xFFFFFF40];
	v57 =	vadd.s32 v0, v10;
	[tilespmem:v58+s15+$0x0] =	vst.idx.msk $0xffff, v37  }
0x4c: {  	s29 =	simm.s32 $0x9;
	v40 =	vshll.u32 v52, v1;
	v7 =	vld [tilespmem:$0x1FF00];
	v52 =	vadd.s32 v6, v55  }
0x4d: {  	s30 =	simm.s32 $0xA;
	v42 =	vmov s29;
	s29 =	simm.s32 $0xC  }
0x4e: {  	v43 =	vmov s30;
	v48 =	vmov s29;
	[tilespmem:v59+s15+$0x0] =	vst.idx.msk $0xffff, v44  }
0x4f: {  	v54 =	vshrl.u32 v42, $0x3;
	v56 =	vshrl.u32 v43, $0x3;
	v8 =	vbroadcast v11, $0x0;
	[tilespmem:v61+s15+$0x0] =	vst.idx.msk $0xffff, v60  }
0x50: {  	s30 =	simm.s32 $0xD;
	v11 =	vbroadcast v40, $0x0;
	v43 =	vshll.u32 v54, v1;
	v53 =	vshrl.u32 v41, $0x3;
	v54 =	vld [tilespmem:s28+$0xFFFFFFC0];
	[tilespmem:v57+s15+$0x0] =	vst.idx.msk $0xffff, v36  }
0x51: {  	v49 =	vmov s30;
	v41 =	vshll.u32 v53, v1;
	v37 =	vld [tilespmem:s28+$0xFFFFFF80];
	v42 =	vadd.s32 v7, v8;
	[tilespmem:v52+s15+$0x0] =	vst.idx.msk $0xffff, v51  }
0x52: {  	v48 =	vshrl.u32 v48, $0x3;
	v3 =	vbroadcast v41, $0x0;
	v44 =	vadd.s32 v5, v11;
	v5 =	vld [tilespmem:$0x1FF30]  }
0x53: {  	v49 =	vshrl.u32 v49, $0x3;
	v39 =	vshll.u32 v56, v1;
	v56 =	vld [tilespmem:s28+$0x40];
	v4 =	vbroadcast v43, $0x0  }
0x54: {  	v24 =	vbroadcast v39, $0x0;
	v50 =	vshrl.u32 v50, $0x3;
	v59 =	vld [tilespmem:s28+$0x0];
	v60 =	vadd.s32 v12, v3  }
0x55: {  	v34 =	vshll.u32 v34, v1;
	v63 =	vshll.u32 v50, v1;
	v50 =	vld [tilespmem:s28+$0x100];
	v40 =	vadd.s32 v16, v4  }
0x56: {  	v41 =	vshll.u32 v48, v1;
	v34 =	vbroadcast v34, $0x0;
	v52 =	vld [tilespmem:s28+$0x80];
	[tilespmem:v42+s15+$0x0] =	vst.idx.msk $0xffff, v37;
	v42 =	vadd.s32 v20, v24  }
0x57: {  	v35 =	vbroadcast v41, $0x0;
	v43 =	vshll.u32 v49, v1;
	v48 =	vld [tilespmem:s28+$0x1E0];
	v51 =	vadd.s32 v5, v55  }
0x58: {  	v49 =	vld [tilespmem:s28+$0xC0];
	v36 =	vbroadcast v43, $0x0;
	[tilespmem:v44+s15+$0x0] =	vst.idx.msk $0xffff, v54;
	v44 =	vadd.s32 v31, v34  }
0x59: {  	v38 =	vld [tilespmem:s28+$0x140];
	v57 =	vadd.s32 v28, v35;
	[tilespmem:v60+s15+$0x0] =	vst.idx.msk $0xffff, v59;
	v37 =	vbroadcast v63, $0x0  }
0x5a: {  	v62 =	vld [tilespmem:s28+$0xFFFFFED0];
	v39 =	vadd.s32 v0, v36;
	[tilespmem:v40+s15+$0x0] =	vst.idx.msk $0xffff, v56  }
0x5b: {  	v40 =	vld [tilespmem:s28+$0x180];
	v41 =	vadd.s32 v7, v37;
	[tilespmem:v42+s15+$0x0] =	vst.idx.msk $0xffff, v52  }
0x5c: {  	v43 =	vadd.s32 v17, v47;
	v42 =	vld [tilespmem:s28+$0xFFFFFE50];
	[tilespmem:v51+s15+$0x0] =	vst.idx.msk $0xffff, v48  }
0x5d: {  	v63 =	vadd.s32 v25, v45;
	v7 =	vld [tilespmem:$0x1FF40];
	[tilespmem:v44+s15+$0x0] =	vst.idx.msk $0xffff, v49  }
0x5e: {  	v61 =	vadd.s32 v21, v46;
	v44 =	vld [tilespmem:s28+$0xFFFFFE90];
	[tilespmem:v57+s15+$0x0] =	vst.idx.msk $0xffff, v50  }
0x5f: {  	[tilespmem:v39+s15+$0x0] =	vst.idx.msk $0xffff, v38;
	v38 =	vld [tilespmem:s28+$0xFFFFFF10];
	v39 =	vadd.s32 v29, v9  }
0x60: {  	[tilespmem:v41+s15+$0x0] =	vst.idx.msk $0xffff, v40;
	v40 =	vld [tilespmem:s28+$0xFFFFFF50];
	v41 =	vadd.s32 v2, v10  }
0x61: {  	[tilespmem:v43+s15+$0x0] =	vst.idx.msk $0xffff, v42;
	v42 =	vld [tilespmem:s28+$0xFFFFFF90];
	v43 =	vadd.s32 v15, v8  }
0x62: {  	v60 =	vadd.s32 v6, v11;
	v6 =	vadd.s32 v17, v4;
	[tilespmem:v63+s15+$0x0] =	vst.idx.msk $0xffff, v62;
	v63 =	vld [tilespmem:s28+$0x50]  }
0x63: {  	v48 =	vld [tilespmem:s28+$0x1F0];
	v51 =	vadd.s32 v7, v55;
	[tilespmem:v61+s15+$0x0] =	vst.idx.msk $0xffff, v44  }
0x64: {  	v44 =	vld [tilespmem:s28+$0xFFFFFFD0];
	[tilespmem:v39+s15+$0x0] =	vst.idx.msk $0xffff, v38  }
0x65: {  	v62 =	vadd.s32 v13, v3;
	v61 =	vld [tilespmem:s28+$0x10];
	[tilespmem:v41+s15+$0x0] =	vst.idx.msk $0xffff, v40  }
0x66: {  	v38 =	vld [tilespmem:s28+$0x90];
	v39 =	vadd.s32 v21, v24;
	[tilespmem:v43+s15+$0x0] =	vst.idx.msk $0xffff, v42  }
0x67: {  	v40 =	vld [tilespmem:s28+$0xD0];
	v41 =	vadd.s32 v25, v34;
	[tilespmem:v6+s15+$0x0] =	vst.idx.msk $0xffff, v63  }
0x68: {  	v42 =	vld [tilespmem:s28+$0x110];
	v43 =	vadd.s32 v29, v35;
	[tilespmem:v51+s15+$0x0] =	vst.idx.msk $0xffff, v48  }
0x69: {  	v63 =	vld [tilespmem:s28+$0xFFFFFE10];
	v6 =	vadd.s32 v13, v33;
	[tilespmem:v60+s15+$0x0] =	vst.idx.msk $0xffff, v44  }
0x6a: {  	[tilespmem:v62+s15+$0x0] =	vst.idx.msk $0xffff, v61;
	v44 =	vld [tilespmem:s28+$0x150];
	v60 =	vadd.s32 v2, v36  }
0x6b: {  	v61 =	vld [tilespmem:s28+$0x190];
	v62 =	vadd.s32 v15, v37;
	[tilespmem:v39+s15+$0x0] =	vst.idx.msk $0xffff, v38  }
0x6c: {  	v38 =	vld [tilespmem:s28+$0xFFFFFE60];
	v39 =	vadd.s32 v18, v47;
	[tilespmem:v41+s15+$0x0] =	vst.idx.msk $0xffff, v40  }
0x6d: {  	v40 =	vld [tilespmem:s28+$0xFFFFFEA0];
	v41 =	vadd.s32 v22, v46;
	[tilespmem:v43+s15+$0x0] =	vst.idx.msk $0xffff, v42  }
0x6e: {  	v42 =	vld [tilespmem:s28+$0xFFFFFEE0];
	v43 =	vadd.s32 v26, v45;
	[tilespmem:v6+s15+$0x0] =	vst.idx.msk $0xffff, v63  }
0x6f: {  	v63 =	vld [tilespmem:s28+$0xFFFFFFA0];
	v6 =	vadd.s32 v27, v8;
	[tilespmem:v60+s15+$0x0] =	vst.idx.msk $0xffff, v44  }
0x70: {  	v57 =	vadd.s32 v26, v34;
	v56 =	vld [tilespmem:s28+$0xE0];
	[tilespmem:v62+s15+$0x0] =	vst.idx.msk $0xffff, v61  }
0x71: {  	v44 =	vld [tilespmem:s28+$0xFFFFFF20];
	v60 =	vadd.s32 v30, v9;
	[tilespmem:v39+s15+$0x0] =	vst.idx.msk $0xffff, v38  }
0x72: {  	v61 =	vld [tilespmem:s28+$0xFFFFFF60];
	v62 =	vadd.s32 v32, v10;
	[tilespmem:v41+s15+$0x0] =	vst.idx.msk $0xffff, v40  }
0x73: {  	v38 =	vld [tilespmem:s28+$0xFFFFFFE0];
	v39 =	vadd.s32 v5, v11;
	[tilespmem:v43+s15+$0x0] =	vst.idx.msk $0xffff, v42  }
0x74: {  	v40 =	vld [tilespmem:s28+$0x20];
	v41 =	vadd.s32 v14, v3;
	[tilespmem:v6+s15+$0x0] =	vst.idx.msk $0xffff, v63  }
0x75: {  	v42 =	vld [tilespmem:s28+$0x60];
	v43 =	vadd.s32 v18, v4;
	[tilespmem:v57+s15+$0x0] =	vst.idx.msk $0xffff, v56  }
0x76: {  	v48 =	vld [tilespmem:s28+$0x120];
	v5 =	vadd.s32 v30, v35;
	[tilespmem:v60+s15+$0x0] =	vst.idx.msk $0xffff, v44  }
0x77: {  	v54 =	vld [tilespmem:s28+$0xA0];
	[tilespmem:v62+s15+$0x0] =	vst.idx.msk $0xffff, v61;
	v44 =	vadd.s32 v22, v24  }
0x78: {  	[tilespmem:v39+s15+$0x0] =	vst.idx.msk $0xffff, v38  }
0x79: {  	[tilespmem:v41+s15+$0x0] =	vst.idx.msk $0xffff, v40  }
0x7a: {  	v49 =	vld [tilespmem:s28+$0x160];
	[tilespmem:v43+s15+$0x0] =	vst.idx.msk $0xffff, v42  }
0x7b: {  	v6 =	vadd.s32 v32, v36;
	v50 =	vld [tilespmem:s28+$0x1A0];
	[tilespmem:v5+s15+$0x0] =	vst.idx.msk $0xffff, v48  }
0x7c: {  	v41 =	vadd.s32 v27, v37;
	v60 =	vld [tilespmem:s28+$0xFFFFFE20];
	[tilespmem:v44+s15+$0x0] =	vst.idx.msk $0xffff, v54  }
0x7d: {  	v39 =	vadd.s32 v14, v33;
	v25 =	vld [tilespmem:$0x1FED0];
	_ =	sdelay $0x1  }
0x7e: {  	v56 =	vld [tilespmem:s28+$0xFFFFFEB0]  }
0x7f: {  	v47 =	vadd.s32 v19, v47;
	v54 =	vld [tilespmem:s28+$0xFFFFFE70];
	[tilespmem:v6+s15+$0x0] =	vst.idx.msk $0xffff, v49  }
0x80: {  	v42 =	vadd.s32 v23, v46;
	v31 =	vld [tilespmem:$0x1FEE0];
	[tilespmem:v41+s15+$0x0] =	vst.idx.msk $0xffff, v50  }
0x81: {  	s29 =	simm.s32 $0x10;
	v59 =	vld [tilespmem:s28+$0xFFFFFEF0];
	[tilespmem:v39+s15+$0x0] =	vst.idx.msk $0xffff, v60;
	v5 =	vadd.s32 v25, v45  }
0x82: {  	s30 =	simm.s32 $0x13;
	v63 =	vmov s29;
	s29 =	simm.s32 $0x11;
	v30 =	vmov v27;
	v27 =	vld [tilespmem:$0x1FEF0]  }
0x83: {  	v0 =	vmov s30;
	s30 =	simm.s32 $0x15;
	v62 =	vmov s29;
	s29 =	simm.s32 $0x12  }
0x84: {  	v2 =	vmov s30;
	s30 =	simm.s32 $0x17;
	v61 =	vshrl.u32 v63, $0x3;
	v55 =	vmov s29;
	s29 =	simm.s32 $0x14;
	v63 =	vld [tilespmem:s28+$0xFFFFFF30];
	[tilespmem:v47+s15+$0x0] =	vst.idx.msk $0xffff, v54  }
0x85: {  	v52 =	vmov s30;
	v40 =	vshrl.u32 v0, $0x3;
	v44 =	vmov s29;
	s29 =	simm.s32 $0x16;
	v29 =	vld [tilespmem:$0x1FF10];
	[tilespmem:v42+s15+$0x0] =	vst.idx.msk $0xffff, v56  }
0x86: {  	v55 =	vshrl.u32 v55, $0x3;
	v43 =	vmov s29;
	s29 =	simm.s32 $0x18;
	v6 =	vadd.s32 v31, v9;
	v9 =	vld [tilespmem:s28+$0xFFFFFF70];
	[tilespmem:v5+s15+$0x0] =	vst.idx.msk $0xffff, v59  }
0x87: {  	v28 =	vmovc v15;
	v38 =	vshrl.u32 v44, $0x3;
	v53 =	vmov s29;
	s29 =	simm.s32 $0x1A;
	v10 =	vadd.s32 v27, v10;
	v15 =	vld [tilespmem:$0x1FEC0]  }
0x88: {  	v57 =	vld [tilespmem:s28+$0xFFFFFFB0];
	v44 =	vadd.s32 v23, v24;
	v41 =	vshrl.u32 v2, $0x3;
	v46 =	vmov s29;
	s29 =	simm.s32 $0x1C  }
0x89: {  	s30 =	simm.s32 $0x19;
	v58 =	vld [tilespmem:s28+$0xFFFFFFF0];
	v39 =	vshrl.u32 v43, $0x3;
	v51 =	vmov s29;
	s29 =	simm.s32 $0x1E;
	v54 =	vshll.u32 v61, v1  }
0x8a: {  	v43 =	vld [tilespmem:s28+$0xB0];
	v49 =	vmov s29;
	v61 =	vadd.s32 v7, v11;
	v45 =	vmov s30;
	s30 =	simm.s32 $0x1B  }
0x8b: {  	v56 =	vshrl.u32 v62, $0x3;
	v42 =	vld [tilespmem:s28+$0x70];
	v50 =	vmov s30;
	s30 =	simm.s32 $0x1D;
	v60 =	vadd.s32 v29, v8;
	[tilespmem:v6+s15+$0x0] =	vst.idx.msk $0xffff, v63  }
0x8c: {  	s31 =	simm.s32 $0x1F;
	s29 =	sshll.u32 s23, $0x15;
	v48 =	vmov s30;
	s30 =	simm.s32 $0x20;
	v59 =	vld [tilespmem:s28+$0x30];
	v63 =	vadd.s32 v19, v4;
	[tilespmem:v10+s15+$0x0] =	vst.idx.msk $0xffff, v9;
	v62 =	vadd.s32 v15, v3  }
.LBB2_7:
0x8d: {  	v10 =	vld [tilespmem:s28+$0xF0]  }
0x8e: {  	v11 =	vld [tilespmem:s28+$0x130]  }
0x8f: {  	v5 =	vld [tilespmem:s28+$0x170]  }
0x90: {  	v6 =	vld [tilespmem:s28+$0x1B0]  }
0x91: {  	v7 =	vshll.u32 v56, v1;
	v56 =	vld [tilespmem:s28+$0xFFFFFE30]  }
0x92: {  	v0 =	vld [tilespmem:$0x1FF50]  }
0x93: {  	v2 =	vld [tilespmem:$0x1FF20]  }
0x94: {  	v34 =	vadd.s32 v25, v34;
	v3 =	vld [tilespmem:$0x1FF00]  }
0x95: {  	v9 =	vmov s31;
	v36 =	vadd.s32 v27, v36;
	s28 =	sadd.s32 $0x400, s28;
	v24 =	vld [tilespmem:$0x1FF40];
	[tilespmem:v61+s15+$0x0] =	vst.idx.msk $0xffff, v58  }
0x96: {  	v47 =	vshrl.u32 v52, $0x3;
	v37 =	vadd.s32 v29, v37;
	v52 =	vshrl.u32 v9, $0x3;
	[tilespmem:v44+s15+$0x0] =	vst.idx.msk $0xffff, v43;
	v44 =	vld [tilespmem:s28+$0x1C0]  }
0x97: {  	v4 =	vshll.u32 v52, v1;
	[tilespmem:v63+s15+$0x0] =	vst.idx.msk $0xffff, v42;
	v63 =	vld [tilespmem:s28+$0xFFFFFE40]  }
0x98: {  	v35 =	vadd.s32 v31, v35;
	[tilespmem:v62+s15+$0x0] =	vst.idx.msk $0xffff, v59;
	v61 =	vbroadcast v4, $0x0;
	v4 =	vld [tilespmem:$0x1FF80]  }
0x99: {  	[tilespmem:v34+s15+$0x0] =	vst.idx.msk $0xffff, v10;
	v34 =	vld [tilespmem:s28+$0xFFFFFE00]  }
0x9a: {  	v8 =	vshll.u32 v55, v1;
	v62 =	vadd.s32 v15, v33;
	v33 =	vbroadcast v54, $0x0;
	[tilespmem:v36+s15+$0x0] =	vst.idx.msk $0xffff, v5;
	v36 =	vld [tilespmem:s28+$0xFFFFFE80]  }
0x9b: {  	v59 =	vshrl.u32 v46, $0x3;
	v46 =	vbroadcast v8, $0x0;
	[tilespmem:v37+s15+$0x0] =	vst.idx.msk $0xffff, v6;
	v37 =	vld [tilespmem:s28+$0xFFFFFEC0];
	v54 =	vadd.s32 v0, v61  }
0x9c: {  	[tilespmem:v60+s15+$0x0] =	vst.idx.msk $0xffff, v57;
	v60 =	vshrl.u32 v45, $0x3;
	v45 =	vbroadcast v7, $0x0;
	v6 =	vld [tilespmem:$0x1FFD0];
	v9 =	vadd.s32 v12, v33  }
0x9d: {  	v53 =	vshrl.u32 v53, $0x3;
	v40 =	vshll.u32 v40, v1;
	[tilespmem:v35+s15+$0x0] =	vst.idx.msk $0xffff, v11;
	v5 =	vld [tilespmem:$0x1FFA0];
	v11 =	vadd.s32 v20, v46  }
0x9e: {  	v38 =	vshll.u32 v38, v1;
	v41 =	vshll.u32 v41, v1;
	v35 =	vld [tilespmem:s28+$0xFFFFFF40];
	v10 =	vadd.s32 v16, v45  }
0x9f: {  	v50 =	vshrl.u32 v50, $0x3;
	v40 =	vbroadcast v40, $0x0;
	v41 =	vbroadcast v41, $0x0;
	v58 =	vld [tilespmem:s28+$0x40];
	[tilespmem:v62+s15+$0x0] =	vst.idx.msk $0xffff, v56  }
0xa0: {  	v39 =	vshll.u32 v39, v1;
	v38 =	vbroadcast v38, $0x0;
	v60 =	vshll.u32 v60, v1;
	v52 =	vld [tilespmem:s28+$0x80];
	[tilespmem:v54+s15+$0x0] =	vst.idx.msk $0xffff, v44  }
0xa1: {  	v48 =	vshrl.u32 v48, $0x3;
	v56 =	vld [tilespmem:s28+$0xFFFFFF00];
	v62 =	vadd.s32 v4, v41;
	v57 =	vadd.s32 v6, v40;
	[tilespmem:v9+s15+$0x0] =	vst.idx.msk $0xffff, v34  }
0xa2: {  	v39 =	vbroadcast v39, $0x0;
	v8 =	vadd.s32 v5, v38;
	v9 =	vshll.u32 v47, v1;
	[tilespmem:v11+s15+$0x0] =	vst.idx.msk $0xffff, v36;
	v36 =	vld [tilespmem:s28+$0xFFFFFF80]  }
0xa3: {  	[tilespmem:v10+s15+$0x0] =	vst.idx.msk $0xffff, v63;
	v10 =	vshll.u32 v53, v1;
	v44 =	vbroadcast v60, $0x0;
	v60 =	vshll.u32 v48, v1;
	v48 =	vld [tilespmem:s28+$0xC0]  }
0xa4: {  	v11 =	vadd.s32 v3, v39;
	v54 =	vld [tilespmem:s28+$0x1D0];
	v42 =	vbroadcast v9, $0x0;
	v9 =	vshll.u32 v50, v1  }
0xa5: {  	v55 =	vadd.s32 v2, v61;
	v43 =	vbroadcast v10, $0x0;
	v34 =	vbroadcast v9, $0x0;
	v9 =	vld [tilespmem:s28+$0x180]  }
0xa6: {  	v51 =	vshrl.u32 v51, $0x3;
	v7 =	vshll.u32 v59, v1;
	v63 =	vadd.s32 v0, v42;
	v0 =	vld [tilespmem:$0x1FF30];
	[tilespmem:v57+s15+$0x0] =	vst.idx.msk $0xffff, v37  }
0xa7: {  	v10 =	vshll.u32 v51, v1;
	[tilespmem:v8+s15+$0x0] =	vst.idx.msk $0xffff, v56;
	v56 =	vld [tilespmem:s28+$0x0];
	v57 =	vadd.s32 v12, v43  }
0xa8: {  	v47 =	vbroadcast v7, $0x0;
	[tilespmem:v62+s15+$0x0] =	vst.idx.msk $0xffff, v35;
	v35 =	vbroadcast v10, $0x0;
	v37 =	vld [tilespmem:s28+$0xFFFFFFC0]  }
0xa9: {  	v8 =	vadd.s32 v16, v44;
	v62 =	vadd.s32 v6, v34;
	v6 =	vld [tilespmem:s28+$0x100];
	[tilespmem:v11+s15+$0x0] =	vst.idx.msk $0xffff, v36  }
0xaa: {  	v11 =	vadd.s32 v20, v47;
	v7 =	vadd.s32 v5, v35;
	v5 =	vld [tilespmem:$0x1FFE0];
	[tilespmem:v55+s15+$0x0] =	vst.idx.msk $0xffff, v54  }
0xab: {  	v50 =	vld [tilespmem:s28+$0x1E0]  }
0xac: {  	v49 =	vshrl.u32 v49, $0x3;
	v36 =	vbroadcast v60, $0x0;
	[tilespmem:v57+s15+$0x0] =	vst.idx.msk $0xffff, v56;
	v56 =	vld [tilespmem:s28+$0x140]  }
0xad: {  	v51 =	vadd.s32 v0, v61;
	[tilespmem:v63+s15+$0x0] =	vst.idx.msk $0xffff, v37;
	v63 =	vshll.u32 v49, v1;
	v49 =	vld [tilespmem:s28+$0xFFFFFED0]  }
0xae: {  	[tilespmem:v8+s15+$0x0] =	vst.idx.msk $0xffff, v58;
	v8 =	vadd.s32 v4, v36;
	v4 =	vld [tilespmem:$0x1FFC0]  }
0xaf: {  	v60 =	vadd.s32 v17, v45;
	v37 =	vbroadcast v63, $0x0;
	[tilespmem:v11+s15+$0x0] =	vst.idx.msk $0xffff, v52;
	v11 =	vld [tilespmem:s28+$0xFFFFFE50]  }
0xb0: {  	[tilespmem:v7+s15+$0x0] =	vst.idx.msk $0xffff, v6;
	v63 =	vadd.s32 v5, v40;
	v7 =	vld [tilespmem:s28+$0x50]  }
0xb1: {  	[tilespmem:v62+s15+$0x0] =	vst.idx.msk $0xffff, v48;
	v10 =	vadd.s32 v3, v37;
	v3 =	vld [tilespmem:$0x1FF90]  }
0xb2: {  	v62 =	vadd.s32 v21, v46;
	[tilespmem:v51+s15+$0x0] =	vst.idx.msk $0xffff, v50;
	v51 =	vadd.s32 v24, v61;
	v61 =	vld [tilespmem:s28+$0xFFFFFE90]  }
0xb3: {  	v50 =	vld [tilespmem:s28+$0x1F0];
	[tilespmem:v8+s15+$0x0] =	vst.idx.msk $0xffff, v56  }
0xb4: {  	v56 =	vld [tilespmem:s28+$0xFFFFFF10];
	v8 =	vadd.s32 v4, v38;
	[tilespmem:v60+s15+$0x0] =	vst.idx.msk $0xffff, v11  }
0xb5: {  	v11 =	vld [tilespmem:s28+$0xFFFFFF90];
	v60 =	vadd.s32 v28, v39;
	[tilespmem:v63+s15+$0x0] =	vst.idx.msk $0xffff, v49  }
0xb6: {  	v6 =	vadd.s32 v13, v43;
	v63 =	vld [tilespmem:s28+$0x10];
	[tilespmem:v10+s15+$0x0] =	vst.idx.msk $0xffff, v9  }
0xb7: {  	v9 =	vld [tilespmem:s28+$0xFFFFFF50];
	v10 =	vadd.s32 v3, v41;
	[tilespmem:v62+s15+$0x0] =	vst.idx.msk $0xffff, v61  }
0xb8: {  	v61 =	vld [tilespmem:s28+$0xFFFFFFD0];
	v62 =	vadd.s32 v2, v42;
	[tilespmem:v51+s15+$0x0] =	vst.idx.msk $0xffff, v50  }
0xb9: {  	v2 =	vld [tilespmem:$0x1FFB0];
	[tilespmem:v8+s15+$0x0] =	vst.idx.msk $0xffff, v56;
	v8 =	vadd.s32 v17, v44  }
0xba: {  	[tilespmem:v60+s15+$0x0] =	vst.idx.msk $0xffff, v11;
	v11 =	vld [tilespmem:s28+$0xD0];
	v60 =	vadd.s32 v5, v34  }
0xbb: {  	[tilespmem:v6+s15+$0x0] =	vst.idx.msk $0xffff, v63;
	v5 =	vld [tilespmem:s28+$0x190];
	v6 =	vadd.s32 v28, v37  }
0xbc: {  	[tilespmem:v10+s15+$0x0] =	vst.idx.msk $0xffff, v9;
	v9 =	vld [tilespmem:s28+$0x90];
	v10 =	vadd.s32 v21, v47  }
0xbd: {  	[tilespmem:v62+s15+$0x0] =	vst.idx.msk $0xffff, v61;
	v61 =	vld [tilespmem:s28+$0x110];
	v62 =	vadd.s32 v4, v35  }
0xbe: {  	v63 =	vld [tilespmem:s28+$0x150];
	v4 =	vadd.s32 v3, v36;
	[tilespmem:v8+s15+$0x0] =	vst.idx.msk $0xffff, v7  }
0xbf: {  	v7 =	vld [tilespmem:s28+$0xFFFFFE10];
	v8 =	vadd.s32 v13, v33;
	[tilespmem:v60+s15+$0x0] =	vst.idx.msk $0xffff, v11  }
0xc0: {  	v11 =	vld [tilespmem:s28+$0xFFFFFEA0];
	v60 =	vadd.s32 v22, v46;
	[tilespmem:v6+s15+$0x0] =	vst.idx.msk $0xffff, v5  }
0xc1: {  	v5 =	vld [tilespmem:s28+$0xFFFFFF60];
	v6 =	vadd.s32 v32, v41;
	[tilespmem:v10+s15+$0x0] =	vst.idx.msk $0xffff, v9  }
0xc2: {  	v9 =	vld [tilespmem:s28+$0xFFFFFE60];
	v10 =	vadd.s32 v18, v45;
	[tilespmem:v62+s15+$0x0] =	vst.idx.msk $0xffff, v61  }
0xc3: {  	v59 =	vadd.s32 v30, v37;
	v49 =	vld [tilespmem:s28+$0x1A0];
	[tilespmem:v4+s15+$0x0] =	vst.idx.msk $0xffff, v63  }
0xc4: {  	v61 =	vld [tilespmem:s28+$0xFFFFFEE0];
	v62 =	vadd.s32 v26, v40;
	[tilespmem:v8+s15+$0x0] =	vst.idx.msk $0xffff, v7  }
0xc5: {  	v63 =	vld [tilespmem:s28+$0xFFFFFF20];
	v4 =	vadd.s32 v2, v38;
	[tilespmem:v60+s15+$0x0] =	vst.idx.msk $0xffff, v11  }
0xc6: {  	v7 =	vld [tilespmem:s28+$0xFFFFFFA0];
	v8 =	vadd.s32 v30, v39;
	[tilespmem:v6+s15+$0x0] =	vst.idx.msk $0xffff, v5  }
0xc7: {  	[tilespmem:v10+s15+$0x0] =	vst.idx.msk $0xffff, v9;
	v9 =	vld [tilespmem:s28+$0xFFFFFFE0];
	v10 =	vadd.s32 v0, v42  }
0xc8: {  	v11 =	vld [tilespmem:s28+$0x20];
	v60 =	vadd.s32 v14, v43;
	[tilespmem:v59+s15+$0x0] =	vst.idx.msk $0xffff, v49  }
0xc9: {  	[tilespmem:v62+s15+$0x0] =	vst.idx.msk $0xffff, v61;
	v61 =	vld [tilespmem:s28+$0x60];
	v62 =	vadd.s32 v18, v44  }
0xca: {  	v5 =	vadd.s32 v22, v47;
	[tilespmem:v4+s15+$0x0] =	vst.idx.msk $0xffff, v63;
	v4 =	vld [tilespmem:s28+$0xA0]  }
0xcb: {  	v6 =	vld [tilespmem:s28+$0xE0];
	[tilespmem:v8+s15+$0x0] =	vst.idx.msk $0xffff, v7;
	v7 =	vadd.s32 v26, v34  }
0xcc: {  	s4 =	sadd.s32 $0x4, s30;
	v8 =	vld [tilespmem:s28+$0x120];
	[tilespmem:v10+s15+$0x0] =	vst.idx.msk $0xffff, v9;
	v9 =	vadd.s32 v2, v35  }
0xcd: {  	s0 =	sadd.s32 $0x3, s30;
	v3 =	vmov s4;
	[tilespmem:v60+s15+$0x0] =	vst.idx.msk $0xffff, v11;
	v11 =	vadd.s32 v32, v36;
	v10 =	vld [tilespmem:s28+$0x160]  }
0xce: {  	s31 =	sadd.s32 $0x1, s30;
	v0 =	vmov s0;
	v63 =	vmov s30;
	v54 =	vld [tilespmem:s28+$0xFFFFFE70];
	v2 =	vadd.s32 v19, v45;
	[tilespmem:v62+s15+$0x0] =	vst.idx.msk $0xffff, v61  }
0xcf: {  	s4 =	sadd.s32 $0x6, s30;
	v60 =	vld [tilespmem:s28+$0xFFFFFE20];
	v61 =	vshrl.u32 v63, $0x3;
	v62 =	vmov s31;
	s31 =	sadd.s32 $0x2, s30;
	v63 =	vadd.s32 v14, v33;
	[tilespmem:v5+s15+$0x0] =	vst.idx.msk $0xffff, v4  }
0xd0: {  	v56 =	vld [tilespmem:s28+$0xFFFFFEB0];
	v5 =	vadd.s32 v23, v46;
	v55 =	vmov s31;
	s31 =	sadd.s32 $0x5, s30;
	[tilespmem:v7+s15+$0x0] =	vst.idx.msk $0xffff, v6;
	v6 =	vmov s4;
	s4 =	sadd.s32 $0x8, s30  }
0xd1: {  	v40 =	vadd.s32 v25, v40;
	v7 =	vld [tilespmem:s28+$0xFFFFFEF0];
	v4 =	vmov s31;
	s31 =	sadd.s32 $0x7, s30;
	v53 =	vmov s4;
	[tilespmem:v9+s15+$0x0] =	vst.idx.msk $0xffff, v8  }
0xd2: {  	s4 =	sadd.s32 $0xA, s30;
	v55 =	vshrl.u32 v55, $0x3;
	v52 =	vmov s31;
	s31 =	sadd.s32 $0x9, s30;
	[tilespmem:v11+s15+$0x0] =	vst.idx.msk $0xffff, v10;
	v8 =	vld [tilespmem:s28+$0xFFFFFF30];
	v9 =	vadd.s32 v31, v38  }
0xd3: {  	p2 =	slt.u32 s30, $0x70;
	v46 =	vmov s4;
	s4 =	sadd.s32 $0xC, s30;
	v45 =	vmov s31;
	v10 =	vld [tilespmem:s28+$0xFFFFFF70];
	v11 =	vadd.s32 v27, v41;
	[tilespmem:v2+s15+$0x0] =	vst.idx.msk $0xffff, v54  }
.Ltmp2:
0xd4: {  	v57 =	vld [tilespmem:s28+$0xFFFFFFB0];
	s31 =	sadd.s32 $0xB, s30;
	v51 =	vmov s4;
	v54 =	vshll.u32 v61, v1;
	v61 =	vadd.s32 v24, v42;
	[tilespmem:v63+s15+$0x0] =	vst.idx.msk $0xffff, v60;
	(pc) =	sbr.rel @p2 .LBB2_7-.Ltmp2, $4  }
0xd5: {  	v59 =	vld [tilespmem:s28+$0x30];
	s4 =	sadd.s32 $0xE, s30;
	v38 =	vshrl.u32 v3, $0x3;
	v41 =	vshrl.u32 v4, $0x3;
	v50 =	vmov s31;
	[tilespmem:v5+s15+$0x0] =	vst.idx.msk $0xffff, v56  }
0xd6: {  	v58 =	vld [tilespmem:s28+$0xFFFFFFF0];
	v60 =	vadd.s32 v29, v39;
	v49 =	vmov s4;
	v56 =	vshrl.u32 v62, $0x3;
	[tilespmem:v40+s15+$0x0] =	vst.idx.msk $0xffff, v7  }
0xd7: {  	v42 =	vld [tilespmem:s28+$0x70];
	s31 =	sadd.s32 $0xD, s30;
	v62 =	vadd.s32 v15, v43;
	v63 =	vadd.s32 v19, v44;
	v39 =	vshrl.u32 v6, $0x3;
	[tilespmem:v9+s15+$0x0] =	vst.idx.msk $0xffff, v8  }
0xd8: {  	v43 =	vld [tilespmem:s28+$0xB0];
	v44 =	vadd.s32 v23, v47;
	v48 =	vmov s31;
	v40 =	vshrl.u32 v0, $0x3;
	s31 =	sadd.s32 $0xF, s30;
	s30 =	sadd.s32 $0x10, s30;
	[tilespmem:v11+s15+$0x0] =	vst.idx.msk $0xffff, v10  }
0xd9: {  	_ =	sdelay $0x3  }
0xda: {  	[tilespmem:v60+s15+$0x0] =	vst.idx.msk $0xffff, v57  }
0xdb: {  	[tilespmem:v62+s15+$0x0] =	vst.idx.msk $0xffff, v59  }
0xdc: {  	[tilespmem:v61+s15+$0x0] =	vst.idx.msk $0xffff, v58  }
0xdd: {  	v3 =	vld [tilespmem:s28+$0xF0];
	[tilespmem:v63+s15+$0x0] =	vst.idx.msk $0xffff, v42  }
0xde: {  	v2 =	vmov s31;
	v4 =	vadd.s32 v25, v34;
	v6 =	vld [tilespmem:s28+$0x130];
	[tilespmem:v44+s15+$0x0] =	vst.idx.msk $0xffff, v43  }
0xdf: {  	v7 =	vadd.s32 v31, v35;
	v59 =	vadd.s32 v29, v37;
	v37 =	vshll.u32 v55, v1;
	v55 =	vld [tilespmem:$0x1FF50]  }
0xe0: {  	v9 =	vld [tilespmem:s28+$0x170];
	v10 =	vadd.s32 v27, v36;
	v2 =	vshrl.u32 v2, $0x3  }
0xe1: {  	v11 =	vshrl.u32 v46, $0x3;
	v34 =	vbroadcast v54, $0x0;
	v2 =	vshll.u32 v2, v1;
	v58 =	vld [tilespmem:s28+$0x1B0]  }
0xe2: {  	v36 =	vshll.u32 v56, v1;
	v46 =	vld [tilespmem:s28+$0xFFFFFE30];
	v47 =	vadd.s32 v15, v33;
	s28 =	sadd.s32 $0x400, s28;
	v2 =	vbroadcast v2, $0x0  }
0xe3: {  	v33 =	vbroadcast v36, $0x0;
	v60 =	vadd.s32 v12, v34;
	[tilespmem:v4+s15+$0x0] =	vst.idx.msk $0xffff, v3;
	v3 =	vld [tilespmem:s28+$0xFFFFFE00]  }
0xe4: {  	v43 =	vld [tilespmem:s28+$0x1C0];
	[tilespmem:v7+s15+$0x0] =	vst.idx.msk $0xffff, v6;
	v54 =	vadd.s32 v55, v2  }
0xe5: {  	v62 =	vld [tilespmem:s28+$0xFFFFFE40];
	v63 =	vadd.s32 v16, v33;
	[tilespmem:v10+s15+$0x0] =	vst.idx.msk $0xffff, v9  }
0xe6: {  	[tilespmem:v59+s15+$0x0] =	vst.idx.msk $0xffff, v58  }
0xe7: {  	v57 =	vld [tilespmem:$0x1FFD0];
	[tilespmem:v47+s15+$0x0] =	vst.idx.msk $0xffff, v46  }
0xe8: {  	v35 =	vbroadcast v37, $0x0;
	v24 =	vld [tilespmem:$0x1FFA0];
	[tilespmem:v60+s15+$0x0] =	vst.idx.msk $0xffff, v3  }
0xe9: {  	v9 =	vld [tilespmem:s28+$0xFFFFFE80];
	[tilespmem:v54+s15+$0x0] =	vst.idx.msk $0xffff, v43  }
0xea: {  	v61 =	vshll.u32 v40, v1;
	v10 =	vadd.s32 v20, v35;
	v56 =	vld [tilespmem:$0x1FF20];
	[tilespmem:v63+s15+$0x0] =	vst.idx.msk $0xffff, v62  }
0xeb: {  	v40 =	vshll.u32 v38, v1;
	v36 =	vbroadcast v61, $0x0;
	v63 =	vld [tilespmem:$0x1FF80]  }
0xec: {  	v0 =	vshrl.u32 v52, $0x3;
	v37 =	vbroadcast v40, $0x0;
	v42 =	vld [tilespmem:s28+$0xFFFFFEC0]  }
0xed: {  	v8 =	vshrl.u32 v45, $0x3;
	v41 =	vshll.u32 v41, v1;
	v52 =	vld [tilespmem:s28+$0xFFFFFF00];
	v45 =	vadd.s32 v57, v36  }
0xee: {  	v5 =	vshrl.u32 v53, $0x3;
	v38 =	vbroadcast v41, $0x0;
	v6 =	vld [tilespmem:s28+$0xFFFFFF40];
	v53 =	vadd.s32 v24, v37  }
0xef: {  	v3 =	vld [tilespmem:s28+$0x1D0];
	[tilespmem:v10+s15+$0x0] =	vst.idx.msk $0xffff, v9;
	v4 =	vadd.s32 v56, v2  }
0xf0: {  	v58 =	vld [tilespmem:$0x1FF00];
	v60 =	vadd.s32 v63, v38;
	_ =	sdelay $0x1  }
0xf1: {  	v39 =	vshll.u32 v39, v1;
	[tilespmem:v45+s15+$0x0] =	vst.idx.msk $0xffff, v42  }
0xf2: {  	v39 =	vbroadcast v39, $0x0;
	[tilespmem:v53+s15+$0x0] =	vst.idx.msk $0xffff, v52  }
0xf3: {  	v50 =	vshrl.u32 v50, $0x3;
	v0 =	vshll.u32 v0, v1;
	[tilespmem:v4+s15+$0x0] =	vst.idx.msk $0xffff, v3  }
0xf4: {  	v40 =	vbroadcast v0, $0x0;
	v0 =	vshll.u32 v5, v1;
	v61 =	vld [tilespmem:s28+$0xFFFFFF80];
	v62 =	vadd.s32 v58, v39;
	[tilespmem:v60+s15+$0x0] =	vst.idx.msk $0xffff, v6  }
0xf5: {  	v41 =	vbroadcast v0, $0x0;
	v0 =	vshll.u32 v8, v1;
	v59 =	vshll.u32 v50, v1;
	v50 =	vld [tilespmem:$0x1FF30]  }
0xf6: {  	v11 =	vshll.u32 v11, v1;
	v8 =	vld [tilespmem:s28+$0xFFFFFFC0];
	v10 =	vadd.s32 v55, v40;
	v42 =	vbroadcast v0, $0x0  }
0xf7: {  	v47 =	vld [tilespmem:s28+$0x0];
	v43 =	vbroadcast v11, $0x0;
	v0 =	vshrl.u32 v48, $0x3;
	v48 =	vadd.s32 v12, v41  }
0xf8: {  	v52 =	vld [tilespmem:s28+$0x40];
	v53 =	vadd.s32 v16, v42  }
0xf9: {  	v51 =	vshrl.u32 v51, $0x3;
	[tilespmem:v62+s15+$0x0] =	vst.idx.msk $0xffff, v61;
	v61 =	vld [tilespmem:s28+$0x80];
	v62 =	vadd.s32 v20, v43  }
0xfa: {  	v44 =	vbroadcast v59, $0x0;
	v3 =	vshll.u32 v51, v1;
	v4 =	vld [tilespmem:s28+$0x1E0];
	v60 =	vadd.s32 v50, v2  }
0xfb: {  	v9 =	vld [tilespmem:s28+$0x100];
	v0 =	vshll.u32 v0, v1;
	v45 =	vbroadcast v3, $0x0;
	[tilespmem:v10+s15+$0x0] =	vst.idx.msk $0xffff, v8  }
0xfc: {  	v49 =	vshrl.u32 v49, $0x3;
	v46 =	vbroadcast v0, $0x0;
	v3 =	vld [tilespmem:s28+$0xC0];
	v8 =	vadd.s32 v57, v44;
	[tilespmem:v48+s15+$0x0] =	vst.idx.msk $0xffff, v47  }
0xfd: {  	v5 =	vld [tilespmem:s28+$0xFFFFFE50];
	v0 =	vshll.u32 v49, v1;
	[tilespmem:v53+s15+$0x0] =	vst.idx.msk $0xffff, v52;
	v10 =	vadd.s32 v24, v45  }
0xfe: {  	v54 =	vadd.s32 v63, v46;
	v47 =	vbroadcast v0, $0x0;
	v0 =	vld [tilespmem:s28+$0x140];
	[tilespmem:v62+s15+$0x0] =	vst.idx.msk $0xffff, v61  }
0xff: {  	v48 =	vld [tilespmem:s28+$0x180];
	[tilespmem:v60+s15+$0x0] =	vst.idx.msk $0xffff, v4  }
0x100: {  	v49 =	vadd.s32 v58, v47;
	v61 =	vld [tilespmem:$0x1FF40]  }
0x101: {  	v4 =	vld [tilespmem:s28+$0x1F0];
	[tilespmem:v8+s15+$0x0] =	vst.idx.msk $0xffff, v3  }
0x102: {  	v7 =	vadd.s32 v21, v35;
	v3 =	vld [tilespmem:s28+$0xFFFFFE90];
	[tilespmem:v10+s15+$0x0] =	vst.idx.msk $0xffff, v9  }
0x103: {  	v60 =	vld [tilespmem:$0x1FFE0];
	[tilespmem:v54+s15+$0x0] =	vst.idx.msk $0xffff, v0  }
0x104: {  	v59 =	vadd.s32 v17, v33;
	v53 =	vld [tilespmem:$0x1FFC0]  }
0x105: {  	v54 =	vld [tilespmem:s28+$0x10];
	[tilespmem:v49+s15+$0x0] =	vst.idx.msk $0xffff, v48;
	v2 =	vadd.s32 v61, v2  }
0x106: {  	v49 =	vadd.s32 v13, v41;
	v62 =	vld [tilespmem:$0x1FF90]  }
0x107: {  	v52 =	vadd.s32 v56, v40;
	[tilespmem:v7+s15+$0x0] =	vst.idx.msk $0xffff, v3;
	v3 =	vld [tilespmem:s28+$0xFFFFFFD0]  }
0x108: {  	v8 =	vld [tilespmem:s28+$0xFFFFFED0];
	v9 =	vadd.s32 v60, v36  }
0x109: {  	v0 =	vld [tilespmem:s28+$0xFFFFFF10];
	[tilespmem:v59+s15+$0x0] =	vst.idx.msk $0xffff, v5;
	v10 =	vadd.s32 v53, v37  }
0x10a: {  	v59 =	vadd.s32 v28, v39;
	[tilespmem:v2+s15+$0x0] =	vst.idx.msk $0xffff, v4;
	v2 =	vld [tilespmem:s28+$0xFFFFFF90]  }
0x10b: {  	v11 =	vld [tilespmem:s28+$0xFFFFFF50];
	[tilespmem:v49+s15+$0x0] =	vst.idx.msk $0xffff, v54;
	v48 =	vadd.s32 v62, v38  }
0x10c: {  	v5 =	vadd.s32 v53, v45;
	[tilespmem:v52+s15+$0x0] =	vst.idx.msk $0xffff, v3;
	v3 =	vld [tilespmem:s28+$0x110]  }
0x10d: {  	v54 =	vadd.s32 v62, v46;
	v52 =	vld [tilespmem:s28+$0x150];
	[tilespmem:v9+s15+$0x0] =	vst.idx.msk $0xffff, v8  }
0x10e: {  	v51 =	vadd.s32 v17, v42;
	[tilespmem:v10+s15+$0x0] =	vst.idx.msk $0xffff, v0;
	v0 =	vld [tilespmem:s28+$0x50]  }
0x10f: {  	[tilespmem:v59+s15+$0x0] =	vst.idx.msk $0xffff, v2;
	v2 =	vld [tilespmem:s28+$0xD0];
	v59 =	vadd.s32 v60, v44  }
0x110: {  	v9 =	vld [tilespmem:s28+$0x90];
	v10 =	vadd.s32 v21, v43;
	[tilespmem:v48+s15+$0x0] =	vst.idx.msk $0xffff, v11  }
0x111: {  	v11 =	vld [tilespmem:s28+$0xFFFFFE10];
	v48 =	vadd.s32 v13, v34;
	[tilespmem:v5+s15+$0x0] =	vst.idx.msk $0xffff, v3  }
0x112: {  	v3 =	vld [tilespmem:s28+$0xFFFFFEE0];
	v5 =	vadd.s32 v26, v36;
	[tilespmem:v54+s15+$0x0] =	vst.idx.msk $0xffff, v52  }
0x113: {  	v8 =	vadd.s32 v28, v47;
	[tilespmem:v51+s15+$0x0] =	vst.idx.msk $0xffff, v0;
	v0 =	vld [tilespmem:s28+$0x190]  }
0x114: {  	[tilespmem:v59+s15+$0x0] =	vst.idx.msk $0xffff, v2;
	v2 =	vld [tilespmem:s28+$0xFFFFFEA0];
	v59 =	vadd.s32 v22, v35  }
0x115: {  	[tilespmem:v10+s15+$0x0] =	vst.idx.msk $0xffff, v9;
	v9 =	vld [tilespmem:s28+$0xFFFFFE60];
	v10 =	vadd.s32 v18, v33  }
0x116: {  	v54 =	vld [tilespmem:$0x1FFB0];
	[tilespmem:v48+s15+$0x0] =	vst.idx.msk $0xffff, v11  }
0x117: {  	[tilespmem:v5+s15+$0x0] =	vst.idx.msk $0xffff, v3;
	v3 =	vld [tilespmem:s28+$0x20];
	v48 =	vadd.s32 v14, v41  }
0x118: {  	[tilespmem:v8+s15+$0x0] =	vst.idx.msk $0xffff, v0;
	v0 =	vld [tilespmem:s28+$0xFFFFFF60];
	v8 =	vadd.s32 v32, v38  }
0x119: {  	[tilespmem:v59+s15+$0x0] =	vst.idx.msk $0xffff, v2;
	v2 =	vld [tilespmem:s28+$0xFFFFFFE0];
	v59 =	vadd.s32 v50, v40  }
0x11a: {  	v52 =	vadd.s32 v30, v39;
	[tilespmem:v10+s15+$0x0] =	vst.idx.msk $0xffff, v9;
	v9 =	vld [tilespmem:s28+$0xFFFFFFA0]  }
0x11b: {  	v49 =	vld [tilespmem:s28+$0xFFFFFF20];
	v51 =	vadd.s32 v54, v37  }
0x11c: {  	v7 =	vadd.s32 v30, v47;
	v6 =	vld [tilespmem:s28+$0x1A0];
	[tilespmem:v48+s15+$0x0] =	vst.idx.msk $0xffff, v3  }
0x11d: {  	[tilespmem:v8+s15+$0x0] =	vst.idx.msk $0xffff, v0;
	v0 =	vld [tilespmem:s28+$0xA0];
	v8 =	vadd.s32 v22, v43  }
0x11e: {  	[tilespmem:v59+s15+$0x0] =	vst.idx.msk $0xffff, v2;
	v2 =	vld [tilespmem:s28+$0x120];
	v59 =	vadd.s32 v54, v45  }
0x11f: {  	[tilespmem:v52+s15+$0x0] =	vst.idx.msk $0xffff, v9;
	v9 =	vld [tilespmem:s28+$0xE0];
	v52 =	vadd.s32 v26, v44  }
0x120: {  	[tilespmem:v51+s15+$0x0] =	vst.idx.msk $0xffff, v49;
	v49 =	vld [tilespmem:s28+$0x60];
	v51 =	vadd.s32 v18, v42  }
0x121: {  	v5 =	vadd.s32 v32, v46;
	v3 =	vld [tilespmem:s28+$0x160];
	[tilespmem:v7+s15+$0x0] =	vst.idx.msk $0xffff, v6  }
0x122: {  	v11 =	vld [tilespmem:s28+$0xFFFFFE20];
	v48 =	vadd.s32 v14, v34;
	[tilespmem:v8+s15+$0x0] =	vst.idx.msk $0xffff, v0  }
0x123: {  	[tilespmem:v59+s15+$0x0] =	vst.idx.msk $0xffff, v2;
	v2 =	vld [tilespmem:s28+$0xFFFFFEF0];
	v59 =	vadd.s32 v25, v36  }
0x124: {  	[tilespmem:v52+s15+$0x0] =	vst.idx.msk $0xffff, v9;
	v52 =	vadd.s32 v23, v35;
	v35 =	vld [tilespmem:s28+$0xFFFFFF70];
	v36 =	vadd.s32 v27, v38  }
0x125: {  	v0 =	vld [tilespmem:s28+$0xFFFFFE70];
	[tilespmem:v51+s15+$0x0] =	vst.idx.msk $0xffff, v49;
	v49 =	vadd.s32 v19, v33  }
0x126: {  	[tilespmem:v5+s15+$0x0] =	vst.idx.msk $0xffff, v3;
	v51 =	vld [tilespmem:s28+$0xFFFFFEB0]  }
0x127: {  	v43 =	vadd.s32 v23, v43;
	[tilespmem:v48+s15+$0x0] =	vst.idx.msk $0xffff, v11;
	v3 =	vld [tilespmem:s28+$0xFFFFFF30];
	v33 =	vadd.s32 v31, v37  }
0x128: {  	v38 =	vld [tilespmem:s28+$0xFFFFFFF0];
	v37 =	vadd.s32 v29, v39;
	v39 =	vadd.s32 v61, v40;
	[tilespmem:v59+s15+$0x0] =	vst.idx.msk $0xffff, v2  }
0x129: {  	v40 =	vadd.s32 v15, v41;
	v41 =	vadd.s32 v19, v42;
	v42 =	vld [tilespmem:s28+$0xB0];
	[tilespmem:v36+s15+$0x0] =	vst.idx.msk $0xffff, v35  }
0x12a: {  	v2 =	vld [tilespmem:s28+$0x30];
	[tilespmem:v49+s15+$0x0] =	vst.idx.msk $0xffff, v0  }
0x12b: {  	v0 =	vld [tilespmem:s28+$0xFFFFFFB0];
	[tilespmem:v52+s15+$0x0] =	vst.idx.msk $0xffff, v51  }
0x12c: {  	[tilespmem:v33+s15+$0x0] =	vst.idx.msk $0xffff, v3;
	v3 =	vld [tilespmem:s28+$0x70]  }
0x12d: {  	v11 =	vld [tilespmem:s28+$0xFFFFFE30];
	v59 =	vadd.s32 v15, v34;
	[tilespmem:v39+s15+$0x0] =	vst.idx.msk $0xffff, v38  }
0x12e: {  	v48 =	vld [tilespmem:s28+$0x130];
	v49 =	vadd.s32 v31, v45;
	[tilespmem:v43+s15+$0x0] =	vst.idx.msk $0xffff, v42  }
0x12f: {  	v51 =	vadd.s32 v27, v46;
	[tilespmem:v40+s15+$0x0] =	vst.idx.msk $0xffff, v2;
	v2 =	vld [tilespmem:s28+$0x170]  }
0x130: {  	v44 =	vadd.s32 v25, v44;
	[tilespmem:v37+s15+$0x0] =	vst.idx.msk $0xffff, v0;
	v0 =	vld [tilespmem:s28+$0xF0]  }
0x131: {  	v52 =	vadd.s32 v29, v47;
	[tilespmem:v41+s15+$0x0] =	vst.idx.msk $0xffff, v3;
	v3 =	vld [tilespmem:s28+$0x1B0]  }
0x132: {  	[tilespmem:v59+s15+$0x0] =	vst.idx.msk $0xffff, v11  }
0x133: {  	[tilespmem:v49+s15+$0x0] =	vst.idx.msk $0xffff, v48  }
0x134: {  	s0 =	sadd.s32 s22, s29;
	[tilespmem:v51+s15+$0x0] =	vst.idx.msk $0xffff, v2  }
0x135: {  	v28 =	vmov v19;
	v30 =	vmov v56;
	v19 =	vmov v55;
	s28 =	sshrl.u32 s0, $0x3;
	[tilespmem:v44+s15+$0x0] =	vst.idx.msk $0xffff, v0  }
0x136: {  	s31 =	simm.s32 $0x4100;
	s30 =	simm.s32 $0x220;
	v15 =	vmovc v25;
	v25 =	vmovc v24;
	v24 =	vmov v50;
	v59 =	vmov v14;
	v40 =	vmov v57;
	s29 =	sadd.s32 s5, s28;
	[tilespmem:v52+s15+$0x0] =	vst.idx.msk $0xffff, v3  }
0x137: {  	v57 =	vmovc v27;
	v27 =	vmovc v58;
	v51 =	vmov v63;
	v63 =	vmov v32;
	v32 =	vmov v61;
	[hbm4b:s29+s1] =	stream.linear.scatter [tilespmem:s31], [sflag:$0x5], $0x80, $0x38;
	[tilespmem:$0x8500] =	vst v63  }
.LBB2_9:
0x138: {  	p2 =	sne.s32 s30, $0x85E0  }
.Ltmp3:
0x139: {  	_ = 	snop;
	(pc) =	sbr.rel @p2 .LBB2_9-.Ltmp3, $4  }
0x13a: {  	_ = 	snop  }
0x13b: {  	s0 =	sshra.s32 s30, $0x2;
	s30 =	sadd.s32 $0x220, s30  }
0x13c: {  	s29 =	sadd.s32 $0x800, s29;
	s0 =	sadd.s32 $0x4100, s0  }
0x13d: {  	[hbm4b:s29+s1] =	stream.linear.scatter [tilespmem:s0], [sflag:$0x5], $0x80, $0x38;
	[tilespmem:$0x8500] =	vst v63  }
0x13e: {  	_ =	swait.ge [sflag:s16], $0x2000;
	s0 =	simm.s32 @!p1 $0x1  }
0x13f: {  	s29 =	simm.s32 @!p1 $0x0;
	s30 =	simm.s32 @!p1 $0x100;
	s4 =	simm.s32 $0x2  }
0x140: {  	s31 =	simm.s32 $0x1;
	[sflag:s16] =	ssyncset.done $0x0;
	v3 =	vmov s4;
	s4 =	simm.s32 $0x4  }
0x141: {  	v2 =	vmov s31;
	s31 =	simm.s32 $0x5;
	[sflag:s16] =	ssyncadd.s32 $0xFFFFE000;
	v5 =	vmov s4;
	s4 =	simm.s32 $0x6  }
0x142: {  	v6 =	vmov s31;
	s31 =	simm.s32 $0x8;
	_ =	swait.ge @!p1 [sflag:s0], $0x80;
	v7 =	vmov s4;
	s4 =	simm.s32 $0x9  }
0x143: {  	v9 =	vmov s31;
	s31 =	simm.s32 $0xB;
	[sflag:s0] =	ssyncset.done @!p1 $0x0;
	v10 =	vmov s4;
	s4 =	sadd.s32 @!p1 s25, s26  }
0x144: {  	v2 =	vshrl.u32 v2, $0x3;
	v3 =	vshrl.u32 v3, $0x3;
	v34 =	vmov s31;
	s31 =	simm.s32 $0xC;
	[sflag:s0] =	ssyncadd.s32 @!p1 $0xFFFFFF80;
	s0 =	simm.s32 @!p1 $0x80  }
0x145: {  	v5 =	vshrl.u32 v5, $0x3;
	v6 =	vshrl.u32 v6, $0x3;
	v7 =	vshrl.u32 v7, $0x3;
	[tilespmem:s30], [sflag:$0x3] =	stream.indirect.gather @!p1 [hbm4b:s3+s0], $0x40, s29, s0, $0xb8;
	[tilespmem:$0x8500] =	vst v63  }
0x146: {  	v9 =	vshrl.u32 v9, $0x3;
	v6 =	vshll.u32 v6, v1;
	v35 =	vmov s31;
	s4 =	sshrl.u32 @!p1 s4, $0x3;
	s31 =	simm.s32 $0xE;
	s30 =	simm.s32 $0x0  }
0x147: {  	v10 =	vshrl.u32 v10, $0x3;
	s4 =	sadd.s32 @!p1 s2, s4;
	v37 =	vmov s31;
	s31 =	simm.s32 $0xF;
	v0 =	vmov s30;
	s30 =	simm.s32 $0x3  }
0x148: {  	v56 =	vshll.u32 v7, v1;
	v35 =	vshrl.u32 v35, $0x3;
	v33 =	vmov s31;
	[tilespmem:s0], [sflag:$0x2] =	stream.linear.gather @!p1 [hbm4b:s4+s29], $0x80, $0x38;
	[tilespmem:$0x8500] =	vst v63  }
0x149: {  	v61 =	vbroadcast v56, $0x0;
	v4 =	vmov s30;
	s30 =	simm.s32 $0x7;
	s0 =	simm.s32 @!p0 $0x6;
	v33 =	vshrl.u32 v33, $0x3  }
0x14a: {  	v0 =	vshrl.u32 v0, $0x3;
	v8 =	vmov s30;
	_ =	swait.ge @!p0 [sflag:s0], $0x2000;
	v33 =	vshll.u32 v33, v1  }
0x14b: {  	s30 =	simm.s32 $0xA;
	v0 =	vshll.u32 v0, v1;
	v4 =	vshrl.u32 v4, $0x3;
	[sflag:s0] =	ssyncset.done @!p0 $0x0;
	v48 =	vbroadcast v33, $0x0  }
0x14c: {  	s26 =	simm.s32 $0x2300;
	v11 =	vmov s30;
	v33 =	vbroadcast v0, $0x0;
	v0 =	vshll.u32 v2, v1;
	[sflag:s0] =	ssyncadd.s32 @!p0 $0xFFFFE000  }
0x14d: {  	v47 =	vbroadcast v0, $0x0;
	v0 =	vshll.u32 v3, v1;
	v2 =	vld [tilespmem:s26+$0x1C0];
	v3 =	vadd.s32 v19, v48  }
0x14e: {  	v38 =	vld [tilespmem:s26+$0xFFFFFE00];
	v41 =	vadd.s32 v12, v33;
	v46 =	vbroadcast v0, $0x0;
	v0 =	vshll.u32 v4, v1  }
0x14f: {  	v4 =	vld [tilespmem:s26+$0xFFFFFE40];
	v42 =	vadd.s32 v16, v47;
	v45 =	vbroadcast v0, $0x0;
	v0 =	vshll.u32 v5, v1  }
0x150: {  	v8 =	vshrl.u32 v8, $0x3;
	v58 =	vld [tilespmem:s26+$0xFFFFFE80];
	v43 =	vadd.s32 v20, v46;
	v39 =	vbroadcast v0, $0x0  }
0x151: {  	v55 =	vmovc v40;
	v11 =	vshrl.u32 v11, $0x3;
	v0 =	vshrl.u32 v34, $0x3;
	v34 =	vld [tilespmem:s26+$0xFFFFFEC0];
	v44 =	vadd.s32 v40, v45  }
0x152: {  	s30 =	simm.s32 $0xD;
	v49 =	vld [tilespmem:s26+$0xFFFFFF00];
	v11 =	vshll.u32 v11, v1;
	v40 =	vbroadcast v6, $0x0;
	v50 =	vadd.s32 v25, v39;
	[tilespmem:v3+s17+$0x0] =	vst.idx.msk $0xffff, v2  }
0x153: {  	v36 =	vmov s30;
	v6 =	vadd.s32 v30, v48;
	[tilespmem:v41+s17+$0x0] =	vst.idx.msk $0xffff, v38;
	v2 =	vshll.u32 v8, v1;
	v3 =	vld [tilespmem:s26+$0x1D0]  }
0x154: {  	v7 =	vadd.s32 v51, v40;
	[tilespmem:v42+s17+$0x0] =	vst.idx.msk $0xffff, v4;
	v4 =	vld [tilespmem:s26+$0xFFFFFF40];
	v41 =	vbroadcast v2, $0x0;
	v2 =	vshll.u32 v9, v1  }
0x155: {  	v5 =	vld [tilespmem:s26+$0xFFFFFF80];
	[tilespmem:v43+s17+$0x0] =	vst.idx.msk $0xffff, v58;
	v58 =	vadd.s32 v27, v61;
	v42 =	vbroadcast v2, $0x0;
	v2 =	vshll.u32 v10, v1  }
0x156: {  	v0 =	vshll.u32 v0, v1;
	v9 =	vld [tilespmem:s26+$0xFFFFFFC0];
	[tilespmem:v44+s17+$0x0] =	vst.idx.msk $0xffff, v34;
	v10 =	vadd.s32 v19, v41;
	v43 =	vbroadcast v2, $0x0  }
0x157: {  	v2 =	vshrl.u32 v36, $0x3;
	v34 =	vbroadcast v0, $0x0;
	[tilespmem:v50+s17+$0x0] =	vst.idx.msk $0xffff, v49;
	v49 =	vld [tilespmem:s26+$0x0];
	v50 =	vadd.s32 v12, v42  }
0x158: {  	v56 =	vld [tilespmem:s26+$0x40];
	v44 =	vbroadcast v11, $0x0;
	v0 =	vshll.u32 v35, v1;
	v52 =	vadd.s32 v16, v43;
	[tilespmem:v6+s17+$0x0] =	vst.idx.msk $0xffff, v3  }
0x159: {  	v35 =	vbroadcast v0, $0x0;
	v0 =	vshll.u32 v2, v1;
	v2 =	vld [tilespmem:s26+$0xC0];
	[tilespmem:v7+s17+$0x0] =	vst.idx.msk $0xffff, v4;
	v7 =	vadd.s32 v55, v34  }
0x15a: {  	v37 =	vshrl.u32 v37, $0x3;
	v36 =	vbroadcast v0, $0x0;
	v4 =	vadd.s32 v24, v48;
	v3 =	vld [tilespmem:s26+$0x1E0];
	[tilespmem:v58+s17+$0x0] =	vst.idx.msk $0xffff, v5  }
0x15b: {  	v38 =	vmov v51;
	v0 =	vshll.u32 v37, v1;
	v5 =	vld [tilespmem:s26+$0x80];
	v58 =	vadd.s32 v20, v44;
	[tilespmem:v10+s17+$0x0] =	vst.idx.msk $0xffff, v9  }
0x15c: {  	v37 =	vbroadcast v0, $0x0;
	v0 =	vld [tilespmem:s26+$0x140];
	v38 =	vadd.s32 v38, v36;
	[tilespmem:v50+s17+$0x0] =	vst.idx.msk $0xffff, v49  }
0x15d: {  	v8 =	vld [tilespmem:s26+$0x100];
	v9 =	vadd.s32 v25, v35;
	[tilespmem:v52+s17+$0x0] =	vst.idx.msk $0xffff, v56  }
0x15e: {  	v11 =	vld [tilespmem:s26+$0x180];
	v56 =	vadd.s32 v27, v37;
	[tilespmem:v7+s17+$0x0] =	vst.idx.msk $0xffff, v2  }
0x15f: {  	v55 =	vadd.s32 v17, v47;
	v52 =	vld [tilespmem:s26+$0xFFFFFE50];
	[tilespmem:v4+s17+$0x0] =	vst.idx.msk $0xffff, v3  }
0x160: {  	[tilespmem:v58+s17+$0x0] =	vst.idx.msk $0xffff, v5;
	v58 =	vadd.s32 v32, v48;
	v3 =	vld [tilespmem:s26+$0x1F0]  }
0x161: {  	[tilespmem:v38+s17+$0x0] =	vst.idx.msk $0xffff, v0  }
0x162: {  	[tilespmem:v9+s17+$0x0] =	vst.idx.msk $0xffff, v8  }
0x163: {  	[tilespmem:v56+s17+$0x0] =	vst.idx.msk $0xffff, v11  }
0x164: {  	v10 =	vadd.s32 v53, v39;
	v0 =	vld [tilespmem:s26+$0xFFFFFF10];
	[tilespmem:v55+s17+$0x0] =	vst.idx.msk $0xffff, v52  }
0x165: {  	v2 =	vld [tilespmem:s26+$0xFFFFFE90];
	[tilespmem:v58+s17+$0x0] =	vst.idx.msk $0xffff, v3  }
0x166: {  	v7 =	vadd.s32 v21, v46;
	v38 =	vmov v53;
	v53 =	vld [tilespmem:$0x1FF60]  }
0x167: {  	v8 =	vld [tilespmem:s26+$0xFFFFFED0];
	v9 =	vadd.s32 v60, v45  }
0x168: {  	v11 =	vld [tilespmem:s26+$0xFFFFFF50];
	v56 =	vadd.s32 v62, v40  }
0x169: {  	v52 =	vadd.s32 v17, v43;
	[tilespmem:v10+s17+$0x0] =	vst.idx.msk $0xffff, v0;
	v0 =	vld [tilespmem:s26+$0x50]  }
0x16a: {  	v51 =	vadd.s32 v13, v42;
	v50 =	vld [tilespmem:s26+$0x10]  }
0x16b: {  	v3 =	vld [tilespmem:s26+$0xFFFFFF90];
	[tilespmem:v7+s17+$0x0] =	vst.idx.msk $0xffff, v2;
	v58 =	vadd.s32 v53, v61  }
0x16c: {  	v49 =	vadd.s32 v30, v41;
	v2 =	vld [tilespmem:s26+$0xFFFFFFD0];
	[tilespmem:v9+s17+$0x0] =	vst.idx.msk $0xffff, v8  }
0x16d: {  	v55 =	vld [tilespmem:s26+$0x90];
	[tilespmem:v56+s17+$0x0] =	vst.idx.msk $0xffff, v11;
	v56 =	vadd.s32 v21, v44  }
0x16e: {  	[tilespmem:v52+s17+$0x0] =	vst.idx.msk $0xffff, v0;
	v0 =	vld [tilespmem:s26+$0x190];
	v8 =	vadd.s32 v53, v37  }
0x16f: {  	[tilespmem:v51+s17+$0x0] =	vst.idx.msk $0xffff, v50;
	v52 =	vld [tilespmem:s26+$0xFFFFFE10];
	v53 =	vadd.s32 v13, v33  }
0x170: {  	[tilespmem:v58+s17+$0x0] =	vst.idx.msk $0xffff, v3;
	v3 =	vld [tilespmem:s26+$0xD0];
	v58 =	vadd.s32 v60, v34  }
0x171: {  	[tilespmem:v49+s17+$0x0] =	vst.idx.msk $0xffff, v2;
	v2 =	vld [tilespmem:s26+$0x110];
	v60 =	vadd.s32 v38, v35  }
0x172: {  	v6 =	vld [tilespmem:s26+$0x150];
	[tilespmem:v56+s17+$0x0] =	vst.idx.msk $0xffff, v55;
	v38 =	vadd.s32 v62, v36  }
0x173: {  	v55 =	vld [tilespmem:s26+$0xFFFFFE60];
	v56 =	vadd.s32 v18, v47;
	[tilespmem:v8+s17+$0x0] =	vst.idx.msk $0xffff, v0  }
0x174: {  	v48 =	vadd.s32 v63, v40;
	[tilespmem:v53+s17+$0x0] =	vst.idx.msk $0xffff, v52;
	v0 =	vld [tilespmem:s26+$0xFFFFFF60]  }
0x175: {  	[tilespmem:v58+s17+$0x0] =	vst.idx.msk $0xffff, v3;
	v3 =	vld [tilespmem:s26+$0xFFFFFEA0];
	v58 =	vadd.s32 v22, v46  }
0x176: {  	[tilespmem:v60+s17+$0x0] =	vst.idx.msk $0xffff, v2;
	v2 =	vld [tilespmem:s26+$0xFFFFFEE0];
	v60 =	vadd.s32 v26, v45  }
0x177: {  	v62 =	vld [tilespmem:s26+$0xFFFFFF20];
	[tilespmem:v38+s17+$0x0] =	vst.idx.msk $0xffff, v6;
	v38 =	vadd.s32 v54, v39  }
0x178: {  	[tilespmem:v56+s17+$0x0] =	vst.idx.msk $0xffff, v55;
	v55 =	vld [tilespmem:s26+$0x60]  }
0x179: {  	v56 =	vadd.s32 v18, v43;
	v50 =	vld [tilespmem:$0x1FF70];
	[tilespmem:v48+s17+$0x0] =	vst.idx.msk $0xffff, v0  }
0x17a: {  	v52 =	vadd.s32 v24, v41;
	[tilespmem:v58+s17+$0x0] =	vst.idx.msk $0xffff, v3;
	v3 =	vld [tilespmem:s26+$0xFFFFFFE0]  }
0x17b: {  	v53 =	vadd.s32 v59, v42;
	[tilespmem:v60+s17+$0x0] =	vst.idx.msk $0xffff, v2;
	v2 =	vld [tilespmem:s26+$0x20]  }
0x17c: {  	v0 =	vld [tilespmem:s26+$0xA0];
	[tilespmem:v38+s17+$0x0] =	vst.idx.msk $0xffff, v62;
	v38 =	vadd.s32 v22, v44  }
0x17d: {  	v9 =	vld [tilespmem:s26+$0xE0];
	v58 =	vadd.s32 v26, v34  }
0x17e: {  	v49 =	vld [tilespmem:s26+$0xFFFFFFA0];
	[tilespmem:v56+s17+$0x0] =	vst.idx.msk $0xffff, v55;
	v51 =	vadd.s32 v50, v61  }
0x17f: {  	v14 =	vmov v54;
	v6 =	vld [tilespmem:s26+$0x1A0];
	v7 =	vadd.s32 v50, v37;
	[tilespmem:v52+s17+$0x0] =	vst.idx.msk $0xffff, v3  }
0x180: {  	v60 =	vadd.s32 v14, v35;
	v3 =	vld [tilespmem:s26+$0x120];
	[tilespmem:v53+s17+$0x0] =	vst.idx.msk $0xffff, v2  }
0x181: {  	v5 =	vadd.s32 v63, v36;
	v2 =	vld [tilespmem:s26+$0x160];
	[tilespmem:v38+s17+$0x0] =	vst.idx.msk $0xffff, v0  }
0x182: {  	v47 =	vadd.s32 v28, v47;
	v38 =	vld [tilespmem:s26+$0xFFFFFE70];
	[tilespmem:v58+s17+$0x0] =	vst.idx.msk $0xffff, v9  }
0x183: {  	v56 =	vld [tilespmem:s26+$0xFFFFFEB0];
	v58 =	vadd.s32 v23, v46;
	[tilespmem:v51+s17+$0x0] =	vst.idx.msk $0xffff, v49  }
0x184: {  	v48 =	vld [tilespmem:s26+$0xFFFFFE20];
	v49 =	vadd.s32 v59, v33;
	[tilespmem:v7+s17+$0x0] =	vst.idx.msk $0xffff, v6  }
0x185: {  	s31 =	simm.s32 $0x11;
	v4 =	vld [tilespmem:s26+$0xFFFFFEF0];
	v0 =	vmov v59;
	v59 =	vadd.s32 v15, v45;
	[tilespmem:v60+s17+$0x0] =	vst.idx.msk $0xffff, v3  }
0x186: {  	s4 =	simm.s32 $0x10;
	v55 =	vmov s31;
	s31 =	simm.s32 $0x13;
	[tilespmem:v5+s17+$0x0] =	vst.idx.msk $0xffff, v2  }
0x187: {  	v19 =	vmovc v32;
	v32 =	vmovc v63;
	v63 =	vmov v28;
	v25 =	vmov s31;
	s31 =	simm.s32 $0x15;
	v62 =	vmov s4;
	[tilespmem:v47+s17+$0x0] =	vst.idx.msk $0xffff, v38  }
0x188: {  	v10 =	vmov s31;
	s31 =	simm.s32 $0x17;
	s4 =	simm.s32 $0x12;
	v26 =	vmovc v63;
	v63 =	vadd.s32 v63, v43;
	v11 =	vshrl.u32 v62, $0x3;
	[tilespmem:v58+s17+$0x0] =	vst.idx.msk $0xffff, v56  }
0x189: {  	v8 =	vmov s4;
	s4 =	simm.s32 $0x14;
	v54 =	vshll.u32 v11, v1;
	v52 =	vmov s31;
	s31 =	simm.s32 $0x19;
	v6 =	vld [tilespmem:s26+$0xFFFFFF70];
	[tilespmem:v49+s17+$0x0] =	vst.idx.msk $0xffff, v48  }
0x18a: {  	v9 =	vmov s4;
	v45 =	vmov s31;
	s31 =	simm.s32 $0x1B;
	v7 =	vadd.s32 v57, v40;
	v2 =	vld [tilespmem:s26+$0xFFFFFF30];
	[tilespmem:v59+s17+$0x0] =	vst.idx.msk $0xffff, v4  }
0x18b: {  	v28 =	vmovc v15;
	s4 =	simm.s32 $0x16;
	v40 =	vshrl.u32 v25, $0x3;
	v50 =	vmov s31;
	v5 =	vadd.s32 v31, v39;
	v15 =	vld [tilespmem:$0x1FEC0]  }
0x18c: {  	v43 =	vld [tilespmem:s26+$0xB0];
	v3 =	vmov s4;
	v60 =	vadd.s32 v29, v61;
	v61 =	vadd.s32 v19, v41  }
0x18d: {  	s31 =	simm.s32 $0x1D;
	s4 =	simm.s32 $0x18;
	v47 =	vmovc v23;
	v23 =	vmovc v57;
	v57 =	vld [tilespmem:s26+$0xFFFFFFB0];
	v56 =	vshrl.u32 v55, $0x3;
	v55 =	vshrl.u32 v8, $0x3;
	v38 =	vshrl.u32 v9, $0x3  }
0x18e: {  	v58 =	vld [tilespmem:s26+$0xFFFFFFF0];
	v41 =	vshrl.u32 v10, $0x3;
	v53 =	vmov s4;
	s4 =	simm.s32 $0x1A;
	v48 =	vmov s31;
	s31 =	simm.s32 $0x1E  }
0x18f: {  	v59 =	vld [tilespmem:s26+$0x30];
	v25 =	vmovc v47;
	v39 =	vshrl.u32 v3, $0x3;
	v46 =	vmov s4;
	s4 =	simm.s32 $0x1C;
	v49 =	vmov s31;
	[tilespmem:v7+s17+$0x0] =	vst.idx.msk $0xffff, v6  }
0x190: {  	s29 =	simm.s32 $0x20;
	s30 =	simm.s32 $0x1F;
	v14 =	vmovc v0;
	v44 =	vadd.s32 v25, v44;
	v51 =	vmov s4;
	[tilespmem:v5+s17+$0x0] =	vst.idx.msk $0xffff, v2;
	v62 =	vadd.s32 v15, v42;
	v42 =	vld [tilespmem:s26+$0x70]  }
.LBB2_11:
0x191: {  	v3 =	vld [tilespmem:s26+$0xF0]  }
0x192: {  	v6 =	vld [tilespmem:s26+$0x130]  }
0x193: {  	v9 =	vld [tilespmem:s26+$0x170]  }
0x194: {  	v4 =	vadd.s32 v28, v34;
	v34 =	vld [tilespmem:s26+$0x1B0]  }
0x195: {  	v0 =	vshrl.u32 v52, $0x3;
	v52 =	vld [tilespmem:$0x1FF50]  }
0x196: {  	v5 =	vshrl.u32 v53, $0x3;
	v53 =	vld [tilespmem:$0x1FF80]  }
0x197: {  	v10 =	vadd.s32 v23, v36;
	v36 =	vshrl.u32 v50, $0x3;
	v50 =	vshrl.u32 v51, $0x3;
	v51 =	vld [tilespmem:$0x1FFC0]  }
0x198: {  	v2 =	vmov s30;
	v7 =	vadd.s32 v31, v35;
	[tilespmem:v61+s17+$0x0] =	vst.idx.msk $0xffff, v58;
	v61 =	vadd.s32 v29, v37;
	v37 =	vld [tilespmem:s26+$0xFFFFFE30]  }
0x199: {  	v2 =	vshrl.u32 v2, $0x3;
	[tilespmem:v63+s17+$0x0] =	vst.idx.msk $0xffff, v42;
	v63 =	vshll.u32 v55, v1;
	v55 =	vld [tilespmem:$0x1FFD0]  }
0x19a: {  	v2 =	vshll.u32 v2, v1;
	[tilespmem:v62+s17+$0x0] =	vst.idx.msk $0xffff, v59;
	v42 =	vadd.s32 v15, v33;
	v33 =	vbroadcast v54, $0x0;
	s26 =	sadd.s32 $0x400, s26;
	v54 =	vld [tilespmem:$0x1FFA0]  }
0x19b: {  	v2 =	vbroadcast v2, $0x0;
	[tilespmem:v44+s17+$0x0] =	vst.idx.msk $0xffff, v43;
	v43 =	vld [tilespmem:s26+$0x1C0]  }
0x19c: {  	v8 =	vshrl.u32 v45, $0x3;
	v11 =	vshrl.u32 v46, $0x3;
	v62 =	vshll.u32 v56, v1;
	[tilespmem:v4+s17+$0x0] =	vst.idx.msk $0xffff, v3;
	v3 =	vld [tilespmem:s26+$0xFFFFFE00]  }
0x19d: {  	v41 =	vshll.u32 v41, v1;
	v45 =	vbroadcast v62, $0x0;
	v44 =	vadd.s32 v52, v2;
	[tilespmem:v7+s17+$0x0] =	vst.idx.msk $0xffff, v6;
	v6 =	vld [tilespmem:s26+$0xFFFFFE40]  }
0x19e: {  	v39 =	vshll.u32 v39, v1;
	v46 =	vbroadcast v63, $0x0;
	v59 =	vld [tilespmem:s26+$0xFFFFFE80];
	v4 =	vadd.s32 v12, v33  }
0x19f: {  	v41 =	vbroadcast v41, $0x0;
	[tilespmem:v60+s17+$0x0] =	vst.idx.msk $0xffff, v57;
	v56 =	vshll.u32 v40, v1;
	v63 =	vld [tilespmem:s26+$0xFFFFFF00];
	v57 =	vadd.s32 v16, v45  }
0x1a0: {  	v58 =	vshll.u32 v38, v1;
	v40 =	vbroadcast v56, $0x0;
	v56 =	vld [tilespmem:s26+$0xFFFFFF80];
	v60 =	vadd.s32 v20, v46;
	[tilespmem:v61+s17+$0x0] =	vst.idx.msk $0xffff, v34  }
0x1a1: {  	v49 =	vshrl.u32 v49, $0x3;
	v0 =	vshll.u32 v0, v1;
	v38 =	vbroadcast v58, $0x0;
	v58 =	vld [tilespmem:s26+$0xFFFFFFC0];
	[tilespmem:v42+s17+$0x0] =	vst.idx.msk $0xffff, v37  }
0x1a2: {  	v39 =	vbroadcast v39, $0x0;
	v36 =	vshll.u32 v36, v1;
	v7 =	vadd.s32 v53, v41;
	v61 =	vld [tilespmem:s26+$0xFFFFFEC0];
	[tilespmem:v44+s17+$0x0] =	vst.idx.msk $0xffff, v43  }
0x1a3: {  	v62 =	vadd.s32 v55, v40;
	v42 =	vbroadcast v0, $0x0;
	v0 =	vshll.u32 v5, v1;
	[tilespmem:v4+s17+$0x0] =	vst.idx.msk $0xffff, v3;
	v3 =	vld [tilespmem:s26+$0x1D0]  }
0x1a4: {  	v47 =	vadd.s32 v54, v38;
	v43 =	vbroadcast v0, $0x0;
	v0 =	vshll.u32 v8, v1;
	[tilespmem:v57+s17+$0x0] =	vst.idx.msk $0xffff, v6;
	v6 =	vld [tilespmem:s26+$0xFFFFFF40]  }
0x1a5: {  	v4 =	vadd.s32 v30, v2;
	v44 =	vbroadcast v0, $0x0;
	v0 =	vshrl.u32 v48, $0x3;
	[tilespmem:v60+s17+$0x0] =	vst.idx.msk $0xffff, v59;
	v60 =	vld [tilespmem:s26+$0x0]  }
0x1a6: {  	v34 =	vbroadcast v36, $0x0;
	v59 =	vadd.s32 v52, v42;
	v0 =	vshll.u32 v0, v1;
	v52 =	vld [tilespmem:$0x1FFE0]  }
0x1a7: {  	[tilespmem:v10+s17+$0x0] =	vst.idx.msk $0xffff, v9;
	v57 =	vadd.s32 v27, v39;
	v36 =	vbroadcast v0, $0x0;
	v0 =	vshll.u32 v49, v1;
	v49 =	vld [tilespmem:$0x1FF60]  }
0x1a8: {  	[tilespmem:v62+s17+$0x0] =	vst.idx.msk $0xffff, v61;
	v62 =	vld [tilespmem:s26+$0x40]  }
0x1a9: {  	v11 =	vshll.u32 v11, v1;
	[tilespmem:v47+s17+$0x0] =	vst.idx.msk $0xffff, v63;
	v61 =	vadd.s32 v12, v43;
	v37 =	vbroadcast v0, $0x0;
	v0 =	vld [tilespmem:s26+$0x140]  }
0x1aa: {  	v63 =	vadd.s32 v16, v44;
	v47 =	vbroadcast v11, $0x0;
	[tilespmem:v4+s17+$0x0] =	vst.idx.msk $0xffff, v3;
	v3 =	vshll.u32 v50, v1;
	v50 =	vld [tilespmem:$0x1FF90]  }
0x1ab: {  	[tilespmem:v7+s17+$0x0] =	vst.idx.msk $0xffff, v6;
	v4 =	vld [tilespmem:s26+$0x1E0];
	v6 =	vadd.s32 v24, v2  }
0x1ac: {  	[tilespmem:v57+s17+$0x0] =	vst.idx.msk $0xffff, v56;
	v56 =	vld [tilespmem:s26+$0x80];
	v57 =	vadd.s32 v20, v47  }
0x1ad: {  	v35 =	vbroadcast v3, $0x0;
	[tilespmem:v59+s17+$0x0] =	vst.idx.msk $0xffff, v58;
	v3 =	vld [tilespmem:s26+$0xC0];
	v58 =	vadd.s32 v55, v34  }
0x1ae: {  	v59 =	vld [tilespmem:s26+$0x100];
	[tilespmem:v61+s17+$0x0] =	vst.idx.msk $0xffff, v60  }
0x1af: {  	v60 =	vadd.s32 v54, v35;
	[tilespmem:v63+s17+$0x0] =	vst.idx.msk $0xffff, v62;
	v62 =	vld [tilespmem:s26+$0x180]  }
0x1b0: {  	v61 =	vadd.s32 v53, v36;
	v55 =	vld [tilespmem:s26+$0x10];
	[tilespmem:v6+s17+$0x0] =	vst.idx.msk $0xffff, v4  }
0x1b1: {  	v63 =	vadd.s32 v27, v37;
	[tilespmem:v57+s17+$0x0] =	vst.idx.msk $0xffff, v56;
	v56 =	vld [tilespmem:s26+$0xFFFFFE50]  }
0x1b2: {  	[tilespmem:v58+s17+$0x0] =	vst.idx.msk $0xffff, v3;
	v3 =	vld [tilespmem:s26+$0xFFFFFE90];
	v58 =	vadd.s32 v21, v46  }
0x1b3: {  	v57 =	vadd.s32 v17, v45;
	v4 =	vld [tilespmem:s26+$0x1F0]  }
0x1b4: {  	v2 =	vadd.s32 v19, v2;
	[tilespmem:v60+s17+$0x0] =	vst.idx.msk $0xffff, v59;
	v59 =	vld [tilespmem:s26+$0xFFFFFED0]  }
0x1b5: {  	[tilespmem:v61+s17+$0x0] =	vst.idx.msk $0xffff, v0;
	v0 =	vld [tilespmem:s26+$0xFFFFFF10];
	v61 =	vadd.s32 v51, v38  }
0x1b6: {  	[tilespmem:v63+s17+$0x0] =	vst.idx.msk $0xffff, v62;
	v62 =	vld [tilespmem:s26+$0xFFFFFF50];
	v63 =	vadd.s32 v50, v41  }
0x1b7: {  	v60 =	vadd.s32 v52, v40;
	[tilespmem:v58+s17+$0x0] =	vst.idx.msk $0xffff, v3;
	v3 =	vld [tilespmem:s26+$0xFFFFFFD0]  }
0x1b8: {  	v54 =	vadd.s32 v30, v42;
	[tilespmem:v57+s17+$0x0] =	vst.idx.msk $0xffff, v56;
	v58 =	vld [tilespmem:s26+$0x90]  }
0x1b9: {  	v53 =	vadd.s32 v49, v39;
	[tilespmem:v2+s17+$0x0] =	vst.idx.msk $0xffff, v4;
	v2 =	vld [tilespmem:s26+$0xFFFFFF90]  }
0x1ba: {  	v56 =	vadd.s32 v13, v43;
	[tilespmem:v61+s17+$0x0] =	vst.idx.msk $0xffff, v0;
	v0 =	vld [tilespmem:s26+$0x50]  }
0x1bb: {  	v57 =	vadd.s32 v17, v44;
	[tilespmem:v63+s17+$0x0] =	vst.idx.msk $0xffff, v62;
	v62 =	vld [tilespmem:s26+$0x150]  }
0x1bc: {  	[tilespmem:v60+s17+$0x0] =	vst.idx.msk $0xffff, v59;
	v59 =	vadd.s32 v21, v47;
	v63 =	vadd.s32 v50, v36;
	v50 =	vld [tilespmem:$0x1FFF0]  }
0x1bd: {  	v61 =	vadd.s32 v51, v35;
	[tilespmem:v54+s17+$0x0] =	vst.idx.msk $0xffff, v3;
	v3 =	vld [tilespmem:s26+$0x110]  }
0x1be: {  	v60 =	vadd.s32 v52, v34;
	[tilespmem:v53+s17+$0x0] =	vst.idx.msk $0xffff, v2;
	v2 =	vld [tilespmem:s26+$0xD0]  }
0x1bf: {  	[tilespmem:v56+s17+$0x0] =	vst.idx.msk $0xffff, v55;
	v55 =	vld [tilespmem:s26+$0xFFFFFE60]  }
0x1c0: {  	v52 =	vadd.s32 v49, v37;
	[tilespmem:v57+s17+$0x0] =	vst.idx.msk $0xffff, v0;
	v0 =	vld [tilespmem:s26+$0x190]  }
0x1c1: {  	v53 =	vld [tilespmem:s26+$0xFFFFFE10];
	[tilespmem:v59+s17+$0x0] =	vst.idx.msk $0xffff, v58  }
0x1c2: {  	v56 =	vadd.s32 v18, v45;
	[tilespmem:v61+s17+$0x0] =	vst.idx.msk $0xffff, v3;
	v3 =	vld [tilespmem:s26+$0xFFFFFEE0]  }
0x1c3: {  	v58 =	vadd.s32 v50, v40;
	[tilespmem:v60+s17+$0x0] =	vst.idx.msk $0xffff, v2;
	v2 =	vld [tilespmem:s26+$0xFFFFFEA0]  }
0x1c4: {  	v54 =	vadd.s32 v13, v33;
	v60 =	vld [tilespmem:$0x1FFB0]  }
0x1c5: {  	v57 =	vadd.s32 v22, v46;
	[tilespmem:v52+s17+$0x0] =	vst.idx.msk $0xffff, v0;
	v0 =	vld [tilespmem:s26+$0xFFFFFF60]  }
0x1c6: {  	[tilespmem:v63+s17+$0x0] =	vst.idx.msk $0xffff, v62;
	v62 =	vadd.s32 v32, v41;
	v52 =	vld [tilespmem:$0x1FF70]  }
0x1c7: {  	v10 =	vadd.s32 v50, v34;
	[tilespmem:v56+s17+$0x0] =	vst.idx.msk $0xffff, v55;
	v9 =	vld [tilespmem:s26+$0xE0]  }
0x1c8: {  	v55 =	vadd.s32 v14, v43;
	[tilespmem:v58+s17+$0x0] =	vst.idx.msk $0xffff, v3;
	v3 =	vld [tilespmem:s26+$0x20]  }
0x1c9: {  	v59 =	vld [tilespmem:s26+$0xFFFFFF20];
	[tilespmem:v54+s17+$0x0] =	vst.idx.msk $0xffff, v53;
	v61 =	vadd.s32 v60, v38  }
0x1ca: {  	v54 =	vadd.s32 v24, v42;
	[tilespmem:v57+s17+$0x0] =	vst.idx.msk $0xffff, v2;
	v2 =	vld [tilespmem:s26+$0xFFFFFFE0]  }
0x1cb: {  	v56 =	vld [tilespmem:s26+$0x60];
	v57 =	vadd.s32 v18, v44;
	[tilespmem:v62+s17+$0x0] =	vst.idx.msk $0xffff, v0  }
0x1cc: {  	v63 =	vld [tilespmem:s26+$0xFFFFFFA0];
	v53 =	vadd.s32 v52, v39;
	[tilespmem:v10+s17+$0x0] =	vst.idx.msk $0xffff, v9  }
0x1cd: {  	v58 =	vadd.s32 v22, v47;
	v0 =	vld [tilespmem:s26+$0xA0];
	[tilespmem:v55+s17+$0x0] =	vst.idx.msk $0xffff, v3  }
0x1ce: {  	v6 =	vld [tilespmem:s26+$0x1A0];
	v7 =	vadd.s32 v52, v37;
	[tilespmem:v61+s17+$0x0] =	vst.idx.msk $0xffff, v59  }
0x1cf: {  	s4 =	sadd.s32 $0x3, s29;
	v5 =	vadd.s32 v32, v36;
	v3 =	vld [tilespmem:s26+$0x160];
	[tilespmem:v54+s17+$0x0] =	vst.idx.msk $0xffff, v2  }
0x1d0: {  	v8 =	vmov s4;
	s4 =	sadd.s32 $0x4, s29;
	v4 =	vadd.s32 v60, v35;
	v2 =	vld [tilespmem:s26+$0x120];
	[tilespmem:v57+s17+$0x0] =	vst.idx.msk $0xffff, v56  }
0x1d1: {  	s0 =	sadd.s32 $0x1, s29;
	v40 =	vadd.s32 v28, v40;
	v60 =	vld [tilespmem:s26+$0xFFFFFE20];
	v9 =	vmov s4;
	v61 =	vadd.s32 v14, v33;
	[tilespmem:v53+s17+$0x0] =	vst.idx.msk $0xffff, v63  }
0x1d2: {  	s31 =	sadd.s32 $0x2, s29;
	v62 =	vld [tilespmem:s26+$0xFFFFFE70];
	v55 =	vmov s0;
	v59 =	vmov s29;
	[tilespmem:v58+s17+$0x0] =	vst.idx.msk $0xffff, v0;
	v63 =	vadd.s32 v26, v45  }
0x1d3: {  	v11 =	vshrl.u32 v59, $0x3;
	v0 =	vmov s31;
	s31 =	sadd.s32 $0x5, s29;
	v58 =	vld [tilespmem:s26+$0xFFFFFEB0];
	v59 =	vadd.s32 v25, v46;
	[tilespmem:v7+s17+$0x0] =	vst.idx.msk $0xffff, v6  }
0x1d4: {  	v56 =	vshrl.u32 v55, $0x3;
	v6 =	vld [tilespmem:s26+$0xFFFFFF70];
	v7 =	vadd.s32 v23, v41;
	v10 =	vmov s31;
	s31 =	sadd.s32 $0x7, s29;
	[tilespmem:v5+s17+$0x0] =	vst.idx.msk $0xffff, v3  }
0x1d5: {  	v54 =	vshll.u32 v11, v1;
	v52 =	vmov s31;
	s31 =	sadd.s32 $0x9, s29;
	v3 =	vld [tilespmem:s26+$0xFFFFFF30];
	v5 =	vadd.s32 v31, v38;
	[tilespmem:v4+s17+$0x0] =	vst.idx.msk $0xffff, v2  }
0x1d6: {  	p0 =	slt.u32 s29, $0x70;
	s4 =	sadd.s32 $0x6, s29;
	v55 =	vshrl.u32 v0, $0x3;
	v41 =	vshrl.u32 v10, $0x3;
	v45 =	vmov s31;
	s31 =	sadd.s32 $0xB, s29;
	v4 =	vld [tilespmem:s26+$0xFFFFFEF0];
	[tilespmem:v61+s17+$0x0] =	vst.idx.msk $0xffff, v60  }
.Ltmp4:
0x1d7: {  	v57 =	vld [tilespmem:s26+$0xFFFFFFB0];
	v38 =	vshrl.u32 v9, $0x3;
	v2 =	vmov s4;
	s4 =	sadd.s32 $0x8, s29;
	v50 =	vmov s31;
	[tilespmem:v63+s17+$0x0] =	vst.idx.msk $0xffff, v62;
	(pc) =	sbr.rel @p0 .LBB2_11-.Ltmp4, $4  }
0x1d8: {  	s31 =	sadd.s32 $0xD, s29;
	v60 =	vadd.s32 v29, v39;
	v61 =	vadd.s32 v19, v42;
	v42 =	vld [tilespmem:s26+$0x70];
	v53 =	vmov s4;
	[tilespmem:v59+s17+$0x0] =	vst.idx.msk $0xffff, v58  }
0x1d9: {  	s4 =	sadd.s32 $0xA, s29;
	v48 =	vmov s31;
	v58 =	vld [tilespmem:s26+$0xFFFFFFF0];
	v62 =	vadd.s32 v15, v43;
	v63 =	vadd.s32 v26, v44;
	[tilespmem:v7+s17+$0x0] =	vst.idx.msk $0xffff, v6  }
0x1da: {  	s31 =	sadd.s32 $0xE, s29;
	v59 =	vld [tilespmem:s26+$0x30];
	v39 =	vshrl.u32 v2, $0x3;
	v44 =	vadd.s32 v25, v47;
	v46 =	vmov s4;
	s4 =	sadd.s32 $0xC, s29;
	[tilespmem:v5+s17+$0x0] =	vst.idx.msk $0xffff, v3  }
0x1db: {  	s30 =	sadd.s32 $0xF, s29;
	v43 =	vld [tilespmem:s26+$0xB0];
	v49 =	vmov s31;
	s29 =	sadd.s32 $0x10, s29;
	v51 =	vmov s4;
	[tilespmem:v40+s17+$0x0] =	vst.idx.msk $0xffff, v4;
	v40 =	vshrl.u32 v8, $0x3  }
0x1dc: {  	_ =	sdelay $0x3  }
0x1dd: {  	[tilespmem:v60+s17+$0x0] =	vst.idx.msk $0xffff, v57  }
0x1de: {  	[tilespmem:v63+s17+$0x0] =	vst.idx.msk $0xffff, v42  }
0x1df: {  	v3 =	vld [tilespmem:s26+$0xF0];
	[tilespmem:v61+s17+$0x0] =	vst.idx.msk $0xffff, v58  }
0x1e0: {  	v4 =	vadd.s32 v28, v34;
	v6 =	vld [tilespmem:s26+$0x130];
	[tilespmem:v62+s17+$0x0] =	vst.idx.msk $0xffff, v59  }
0x1e1: {  	v2 =	vmov s30;
	v7 =	vadd.s32 v31, v35;
	v9 =	vld [tilespmem:s26+$0x170];
	[tilespmem:v44+s17+$0x0] =	vst.idx.msk $0xffff, v43  }
0x1e2: {  	v10 =	vadd.s32 v23, v36;
	v11 =	vshrl.u32 v46, $0x3;
	v34 =	vbroadcast v54, $0x0;
	v54 =	vld [tilespmem:$0x1FF50]  }
0x1e3: {  	v57 =	vadd.s32 v29, v37;
	v2 =	vshrl.u32 v2, $0x3;
	v63 =	vld [tilespmem:s26+$0x1B0];
	v58 =	vshll.u32 v56, v1  }
0x1e4: {  	v46 =	vld [tilespmem:s26+$0xFFFFFE30];
	v47 =	vadd.s32 v15, v33;
	s30 =	sadd.s32 $0x400, s26;
	v2 =	vshll.u32 v2, v1;
	v33 =	vbroadcast v58, $0x0  }
0x1e5: {  	v2 =	vbroadcast v2, $0x0;
	[tilespmem:v4+s17+$0x0] =	vst.idx.msk $0xffff, v3;
	v3 =	vld [tilespmem:s30+$0xFFFFFE00];
	v4 =	vadd.s32 v12, v34  }
0x1e6: {  	[tilespmem:v7+s17+$0x0] =	vst.idx.msk $0xffff, v6;
	v6 =	vld [tilespmem:s30+$0xFFFFFE40];
	v7 =	vadd.s32 v16, v33  }
0x1e7: {  	v43 =	vld [tilespmem:s30+$0x1C0];
	[tilespmem:v10+s17+$0x0] =	vst.idx.msk $0xffff, v9;
	v44 =	vadd.s32 v54, v2  }
0x1e8: {  	[tilespmem:v57+s17+$0x0] =	vst.idx.msk $0xffff, v63  }
0x1e9: {  	v57 =	vld [tilespmem:$0x1FFD0];
	[tilespmem:v47+s17+$0x0] =	vst.idx.msk $0xffff, v46  }
0x1ea: {  	v56 =	vld [tilespmem:$0x1FFA0];
	[tilespmem:v4+s17+$0x0] =	vst.idx.msk $0xffff, v3  }
0x1eb: {  	v0 =	vshrl.u32 v52, $0x3;
	v59 =	vshll.u32 v55, v1;
	[tilespmem:v7+s17+$0x0] =	vst.idx.msk $0xffff, v6  }
0x1ec: {  	v5 =	vshrl.u32 v53, $0x3;
	v60 =	vshll.u32 v40, v1;
	v35 =	vbroadcast v59, $0x0;
	[tilespmem:v44+s17+$0x0] =	vst.idx.msk $0xffff, v43  }
0x1ed: {  	v8 =	vshrl.u32 v45, $0x3;
	v36 =	vbroadcast v60, $0x0;
	v61 =	vshll.u32 v38, v1;
	v55 =	vld [tilespmem:$0x1FF80]  }
0x1ee: {  	v50 =	vshrl.u32 v50, $0x3;
	v37 =	vbroadcast v61, $0x0;
	v9 =	vld [tilespmem:s30+$0xFFFFFE80];
	v10 =	vadd.s32 v20, v35  }
0x1ef: {  	v41 =	vshll.u32 v41, v1;
	v51 =	vshrl.u32 v51, $0x3;
	v62 =	vld [tilespmem:s30+$0xFFFFFEC0];
	v63 =	vadd.s32 v57, v36  }
0x1f0: {  	v39 =	vshll.u32 v39, v1;
	v60 =	vld [tilespmem:s30+$0xFFFFFF00];
	v38 =	vbroadcast v41, $0x0;
	v61 =	vadd.s32 v56, v37  }
0x1f1: {  	v39 =	vbroadcast v39, $0x0;
	v0 =	vshll.u32 v0, v1;
	v4 =	vadd.s32 v30, v2;
	v3 =	vld [tilespmem:s30+$0x1D0]  }
0x1f2: {  	v40 =	vbroadcast v0, $0x0;
	v0 =	vshll.u32 v5, v1;
	v6 =	vld [tilespmem:s30+$0xFFFFFF40];
	v7 =	vadd.s32 v55, v38  }
0x1f3: {  	v5 =	vld [tilespmem:s30+$0xFFFFFF80];
	v41 =	vbroadcast v0, $0x0;
	v0 =	vshll.u32 v8, v1;
	[tilespmem:v10+s17+$0x0] =	vst.idx.msk $0xffff, v9;
	v9 =	vadd.s32 v27, v39  }
0x1f4: {  	v49 =	vshrl.u32 v49, $0x3;
	v8 =	vld [tilespmem:s30+$0xFFFFFFC0];
	v42 =	vbroadcast v0, $0x0;
	[tilespmem:v63+s17+$0x0] =	vst.idx.msk $0xffff, v62;
	v62 =	vadd.s32 v54, v40  }
0x1f5: {  	v11 =	vshll.u32 v11, v1;
	v0 =	vshrl.u32 v48, $0x3;
	v58 =	vadd.s32 v12, v41;
	v63 =	vld [tilespmem:s30+$0x0];
	[tilespmem:v61+s17+$0x0] =	vst.idx.msk $0xffff, v60  }
0x1f6: {  	v59 =	vld [tilespmem:s30+$0x40];
	v43 =	vbroadcast v11, $0x0;
	v60 =	vadd.s32 v16, v42;
	v61 =	vshll.u32 v50, v1;
	[tilespmem:v4+s17+$0x0] =	vst.idx.msk $0xffff, v3  }
0x1f7: {  	v44 =	vbroadcast v61, $0x0;
	v3 =	vshll.u32 v51, v1;
	v4 =	vld [tilespmem:s30+$0x1E0];
	[tilespmem:v7+s17+$0x0] =	vst.idx.msk $0xffff, v6;
	v6 =	vadd.s32 v24, v2  }
0x1f8: {  	v0 =	vshll.u32 v0, v1;
	[tilespmem:v9+s17+$0x0] =	vst.idx.msk $0xffff, v5;
	v5 =	vld [tilespmem:s30+$0x80];
	v45 =	vbroadcast v3, $0x0;
	v7 =	vadd.s32 v20, v43  }
0x1f9: {  	v46 =	vbroadcast v0, $0x0;
	v0 =	vshll.u32 v49, v1;
	[tilespmem:v62+s17+$0x0] =	vst.idx.msk $0xffff, v8;
	v3 =	vld [tilespmem:s30+$0xC0];
	v62 =	vadd.s32 v57, v44  }
0x1fa: {  	v47 =	vbroadcast v0, $0x0;
	[tilespmem:v58+s17+$0x0] =	vst.idx.msk $0xffff, v63;
	v63 =	vld [tilespmem:s30+$0x100];
	v58 =	vadd.s32 v56, v45  }
0x1fb: {  	v0 =	vld [tilespmem:s30+$0x140];
	[tilespmem:v60+s17+$0x0] =	vst.idx.msk $0xffff, v59;
	v59 =	vadd.s32 v55, v46  }
0x1fc: {  	v61 =	vadd.s32 v27, v47;
	v60 =	vld [tilespmem:s30+$0x180];
	[tilespmem:v6+s17+$0x0] =	vst.idx.msk $0xffff, v4  }
0x1fd: {  	[tilespmem:v7+s17+$0x0] =	vst.idx.msk $0xffff, v5;
	v5 =	vld [tilespmem:s30+$0xFFFFFE50];
	v6 =	vadd.s32 v17, v33  }
0x1fe: {  	v2 =	vadd.s32 v19, v2;
	[tilespmem:v62+s17+$0x0] =	vst.idx.msk $0xffff, v3;
	v4 =	vld [tilespmem:s30+$0x1F0]  }
0x1ff: {  	v3 =	vld [tilespmem:s30+$0xFFFFFE90];
	[tilespmem:v58+s17+$0x0] =	vst.idx.msk $0xffff, v63  }
0x200: {  	v53 =	vld [tilespmem:$0x1FFE0];
	[tilespmem:v59+s17+$0x0] =	vst.idx.msk $0xffff, v0  }
0x201: {  	v51 =	vld [tilespmem:$0x1FFC0];
	[tilespmem:v61+s17+$0x0] =	vst.idx.msk $0xffff, v60  }
0x202: {  	v7 =	vadd.s32 v21, v35;
	v50 =	vld [tilespmem:$0x1FF90];
	[tilespmem:v6+s17+$0x0] =	vst.idx.msk $0xffff, v5  }
0x203: {  	[tilespmem:v2+s17+$0x0] =	vst.idx.msk $0xffff, v4  }
0x204: {  	v27 =	vld [tilespmem:$0x1FF60]  }
0x205: {  	v62 =	vld [tilespmem:s30+$0xFFFFFED0];
	v63 =	vadd.s32 v53, v36  }
0x206: {  	v0 =	vld [tilespmem:s30+$0xFFFFFF10];
	v52 =	vadd.s32 v51, v37  }
0x207: {  	v5 =	vadd.s32 v30, v40;
	[tilespmem:v7+s17+$0x0] =	vst.idx.msk $0xffff, v3;
	v3 =	vld [tilespmem:s30+$0xFFFFFFD0]  }
0x208: {  	v6 =	vld [tilespmem:s30+$0x10];
	v7 =	vadd.s32 v13, v41  }
0x209: {  	v2 =	vld [tilespmem:s30+$0xFFFFFF90];
	v4 =	vadd.s32 v27, v39  }
0x20a: {  	v58 =	vld [tilespmem:s30+$0xFFFFFF50];
	v59 =	vadd.s32 v50, v38;
	[tilespmem:v63+s17+$0x0] =	vst.idx.msk $0xffff, v62  }
0x20b: {  	v60 =	vadd.s32 v17, v42;
	[tilespmem:v52+s17+$0x0] =	vst.idx.msk $0xffff, v0;
	v0 =	vld [tilespmem:s30+$0x50]  }
0x20c: {  	v61 =	vld [tilespmem:s30+$0x90];
	v62 =	vadd.s32 v21, v43;
	[tilespmem:v5+s17+$0x0] =	vst.idx.msk $0xffff, v3  }
0x20d: {  	v3 =	vld [tilespmem:s30+$0x110];
	v5 =	vadd.s32 v51, v45;
	[tilespmem:v7+s17+$0x0] =	vst.idx.msk $0xffff, v6  }
0x20e: {  	[tilespmem:v4+s17+$0x0] =	vst.idx.msk $0xffff, v2;
	v2 =	vld [tilespmem:s30+$0xD0];
	v4 =	vadd.s32 v53, v44  }
0x20f: {  	v6 =	vld [tilespmem:s30+$0x150];
	v7 =	vadd.s32 v50, v46;
	[tilespmem:v59+s17+$0x0] =	vst.idx.msk $0xffff, v58  }
0x210: {  	v63 =	vadd.s32 v27, v47;
	[tilespmem:v60+s17+$0x0] =	vst.idx.msk $0xffff, v0;
	v0 =	vld [tilespmem:s30+$0x190]  }
0x211: {  	v58 =	vld [tilespmem:s30+$0xFFFFFE10];
	v59 =	vadd.s32 v13, v34;
	[tilespmem:v62+s17+$0x0] =	vst.idx.msk $0xffff, v61  }
0x212: {  	v61 =	vadd.s32 v18, v33;
	v60 =	vld [tilespmem:s30+$0xFFFFFE60];
	[tilespmem:v5+s17+$0x0] =	vst.idx.msk $0xffff, v3  }
0x213: {  	[tilespmem:v4+s17+$0x0] =	vst.idx.msk $0xffff, v2;
	v2 =	vld [tilespmem:s30+$0xFFFFFEA0]  }
0x214: {  	v4 =	vadd.s32 v22, v35;
	v52 =	vld [tilespmem:$0x1FFF0];
	[tilespmem:v7+s17+$0x0] =	vst.idx.msk $0xffff, v6  }
0x215: {  	v30 =	vld [tilespmem:$0x1FFB0];
	[tilespmem:v63+s17+$0x0] =	vst.idx.msk $0xffff, v0  }
0x216: {  	[tilespmem:v59+s17+$0x0] =	vst.idx.msk $0xffff, v58  }
0x217: {  	v0 =	vld [tilespmem:s30+$0xFFFFFF60];
	[tilespmem:v61+s17+$0x0] =	vst.idx.msk $0xffff, v60  }
0x218: {  	v62 =	vadd.s32 v32, v38;
	v49 =	vld [tilespmem:$0x1FF70]  }
0x219: {  	[tilespmem:v4+s17+$0x0] =	vst.idx.msk $0xffff, v2;
	v2 =	vld [tilespmem:s30+$0xFFFFFFE0];
	v4 =	vadd.s32 v24, v40  }
0x21a: {  	v3 =	vld [tilespmem:s30+$0xFFFFFEE0];
	v5 =	vadd.s32 v52, v36  }
0x21b: {  	v60 =	vld [tilespmem:s30+$0xE0];
	v61 =	vadd.s32 v52, v44  }
0x21c: {  	v6 =	vld [tilespmem:s30+$0xFFFFFF20];
	v7 =	vadd.s32 v30, v37  }
0x21d: {  	v59 =	vadd.s32 v22, v43;
	[tilespmem:v62+s17+$0x0] =	vst.idx.msk $0xffff, v0;
	v0 =	vld [tilespmem:s30+$0xA0]  }
0x21e: {  	v63 =	vld [tilespmem:s30+$0xFFFFFFA0];
	v58 =	vadd.s32 v49, v39;
	[tilespmem:v4+s17+$0x0] =	vst.idx.msk $0xffff, v2  }
0x21f: {  	[tilespmem:v5+s17+$0x0] =	vst.idx.msk $0xffff, v3;
	v3 =	vld [tilespmem:s30+$0x20];
	v5 =	vadd.s32 v14, v41  }
0x220: {  	v11 =	vld [tilespmem:s30+$0xFFFFFE20];
	v62 =	vadd.s32 v14, v34;
	[tilespmem:v61+s17+$0x0] =	vst.idx.msk $0xffff, v60  }
0x221: {  	v2 =	vld [tilespmem:s30+$0x120];
	v4 =	vadd.s32 v30, v45;
	[tilespmem:v7+s17+$0x0] =	vst.idx.msk $0xffff, v6  }
0x222: {  	v6 =	vld [tilespmem:s30+$0x60];
	v7 =	vadd.s32 v18, v42;
	[tilespmem:v59+s17+$0x0] =	vst.idx.msk $0xffff, v0  }
0x223: {  	v0 =	vld [tilespmem:s30+$0xFFFFFE70];
	[tilespmem:v58+s17+$0x0] =	vst.idx.msk $0xffff, v63;
	v63 =	vadd.s32 v26, v33  }
0x224: {  	[tilespmem:v5+s17+$0x0] =	vst.idx.msk $0xffff, v3;
	v3 =	vld [tilespmem:s30+$0x160];
	v5 =	vadd.s32 v32, v46  }
0x225: {  	v35 =	vadd.s32 v25, v35;
	[tilespmem:v62+s17+$0x0] =	vst.idx.msk $0xffff, v11;
	v33 =	vld [tilespmem:s30+$0xFFFFFEB0]  }
0x226: {  	v59 =	vadd.s32 v19, v40;
	v58 =	vld [tilespmem:s30+$0xFFFFFFF0];
	[tilespmem:v4+s17+$0x0] =	vst.idx.msk $0xffff, v2  }
0x227: {  	v2 =	vld [tilespmem:s30+$0xFFFFFEF0];
	v4 =	vadd.s32 v28, v36;
	[tilespmem:v7+s17+$0x0] =	vst.idx.msk $0xffff, v6  }
0x228: {  	v6 =	vld [tilespmem:s30+$0x1A0];
	v7 =	vadd.s32 v49, v47;
	[tilespmem:v63+s17+$0x0] =	vst.idx.msk $0xffff, v0  }
0x229: {  	[tilespmem:v5+s17+$0x0] =	vst.idx.msk $0xffff, v3;
	v3 =	vld [tilespmem:s30+$0xFFFFFF30];
	v5 =	vadd.s32 v31, v37  }
0x22a: {  	v62 =	vadd.s32 v31, v45;
	v61 =	vld [tilespmem:s30+$0x130];
	[tilespmem:v35+s17+$0x0] =	vst.idx.msk $0xffff, v33  }
0x22b: {  	v48 =	vadd.s32 v29, v39;
	v0 =	vld [tilespmem:s30+$0xFFFFFFB0];
	[tilespmem:v59+s17+$0x0] =	vst.idx.msk $0xffff, v58  }
0x22c: {  	[tilespmem:v4+s17+$0x0] =	vst.idx.msk $0xffff, v2;
	v2 =	vld [tilespmem:s30+$0x30];
	v4 =	vadd.s32 v15, v41  }
0x22d: {  	[tilespmem:v7+s17+$0x0] =	vst.idx.msk $0xffff, v6;
	v6 =	vld [tilespmem:s30+$0xFFFFFF70];
	v7 =	vadd.s32 v23, v38  }
0x22e: {  	[tilespmem:v5+s17+$0x0] =	vst.idx.msk $0xffff, v3;
	v3 =	vld [tilespmem:s30+$0x70];
	v5 =	vadd.s32 v26, v42  }
0x22f: {  	v11 =	vld [tilespmem:s30+$0xFFFFFE30];
	v63 =	vadd.s32 v15, v34;
	[tilespmem:v62+s17+$0x0] =	vst.idx.msk $0xffff, v61  }
0x230: {  	v60 =	vadd.s32 v28, v44;
	[tilespmem:v48+s17+$0x0] =	vst.idx.msk $0xffff, v0;
	v0 =	vld [tilespmem:s30+$0xF0]  }
0x231: {  	[tilespmem:v4+s17+$0x0] =	vst.idx.msk $0xffff, v2;
	v2 =	vld [tilespmem:s30+$0x170];
	v4 =	vadd.s32 v23, v46  }
0x232: {  	[tilespmem:v7+s17+$0x0] =	vst.idx.msk $0xffff, v6;
	v6 =	vld [tilespmem:s30+$0xB0];
	v7 =	vadd.s32 v25, v43  }
0x233: {  	[tilespmem:v5+s17+$0x0] =	vst.idx.msk $0xffff, v3;
	v3 =	vld [tilespmem:s30+$0x1B0];
	v5 =	vadd.s32 v29, v47  }
0x234: {  	[tilespmem:v63+s17+$0x0] =	vst.idx.msk $0xffff, v11  }
0x235: {  	[tilespmem:v60+s17+$0x0] =	vst.idx.msk $0xffff, v0  }
0x236: {  	[tilespmem:v4+s17+$0x0] =	vst.idx.msk $0xffff, v2  }
0x237: {  	s0 =	sor.u32 $0x20000, s28;
	v19 =	vmov v26;
	v28 =	vmov v56;
	[tilespmem:v7+s17+$0x0] =	vst.idx.msk $0xffff, v6  }
0x238: {  	s31 =	simm.s32 $0x6300;
	s28 =	simm.s32 $0x220;
	s26 =	sadd.s32 s5, s0;
	v15 =	vmovc v27;
	v27 =	vmovc v49;
	v31 =	vmov v57;
	v23 =	vmov v25;
	v26 =	vmov v52;
	[tilespmem:v5+s17+$0x0] =	vst.idx.msk $0xffff, v3  }
0x239: {  	v25 =	vmovc v53;
	v0 =	vmovc v55;
	v2 =	vmov v50;
	v29 =	vmov v51;
	v5 =	vmov v54;
	[hbm4b:s26+s1] =	stream.linear.scatter [tilespmem:s31], [sflag:$0x6], $0x80, $0x38;
	[tilespmem:$0x8500] =	vst v63  }
.LBB2_13:
0x23a: {  	p0 =	sne.s32 s28, $0x85E0  }
.Ltmp5:
0x23b: {  	_ = 	snop;
	(pc) =	sbr.rel @p0 .LBB2_13-.Ltmp5, $4  }
0x23c: {  	_ = 	snop  }
0x23d: {  	s0 =	sshra.s32 s28, $0x2;
	s28 =	sadd.s32 $0x220, s28  }
0x23e: {  	s26 =	sadd.s32 $0x800, s26;
	s0 =	sadd.s32 $0x6300, s0  }
0x23f: {  	[hbm4b:s26+s1] =	stream.linear.scatter [tilespmem:s0], [sflag:$0x6], $0x80, $0x38;
	[tilespmem:$0x8500] =	vst v63  }
0x240: {  	s23 =	sadd.s32 $0x1, s23  }
0x241: {  	p0 =	sne.s32 s23, $0x64  }
.Ltmp6:
0x242: {  	_ = 	snop;
	(pc) =	sbr.rel @p0 .LBB2_3-.Ltmp6, $1  }
0x243: {  	_ =	sdelay $0x3  }
0x244: {  	s21 =	sadd.s32 $0x1, s21  }
0x245: {  	_ =	swait.ge [sflag:s18], $0x2000;
	p0 =	sne.s32 s21, $0x4  }
.Ltmp7:
0x246: {  	[sflag:s18] =	ssyncset.done $0x0;
	(pc) =	sbr.rel @p0 .LBB2_2-.Ltmp7, $4  }
0x247: {  	[sflag:s18] =	ssyncadd.s32 $0xFFFFE000  }
0x248: {  	_ =	swait.ge [sflag:s19], $0x2000  }
0x249: {  	[sflag:s19] =	ssyncset.done $0x0  }
0x24a: {  	[sflag:s19] =	ssyncadd.s32 $0xFFFFE000  }
0x24b: {  	s20 =	sadd.s32 $0x1, s20  }
0x24c: {  	p0 =	sne.s32 s20, s8  }
.Ltmp8:
0x24d: {  	_ = 	snop;
	(pc) =	sbr.rel @p0 .LBB2_1-.Ltmp8, $1  }
0x24e: {  	_ =	sdelay $0x3  }
0x24f: {  	_ =	sfence.sel $0x180000  }
0x250: {  	[bflag:$0x0] =	sbarrier.arrive $0xFFFF  }
0x251: {  	_ =	strace $0x90000047  }
0x252: {  	s0 =	stileid.u32;
	[bflag:$0x2] =	sbarrier.arrive $0xFFFF  }
0x253: {  	p0 =	sne.s32 s0, $0x0;
	s0 =	rddreg [dreg:$0x1]  }
0x254: {  	s0 =	sadd.s32 @!p0 $0x100000, s0  }
0x255: {  	[sflag:s0] =	ssyncadd.tile.s32 @!p0 $0x1;
	_ =	shalt  }
.Lfunc_end2:
_tile_overlayer_lowered:
.L_overlay_start_2:
0x256: {  	(tag) =	ssettag $0x2  }
0x257: {  	s0 =	rddreg [dreg:$0x0];
	s2 =	stileid.u32  }
0x258: {  	s1 =	rddreg [dreg:$0x1];
	p0 =	sne.s32 s2, $0x0  }
0x259: {  	s3 =	rddreg [dreg:$0x2];
	[bflag:$0x3] =	sbarrier.arrive $0xFFFF;
	s2 =	simm.s32 @!p0 $0x1C07  }
0x25a: {  	[timem:s3], [sflag:s2] =	dma.local @!p0 [hbm:s0], s1  }
0x25b: {  	s0 =	simm.s32 @!p0 $0x7  }
0x25c: {  	_ =	swait.ge @!p0 [sflag:s0], s1  }
0x25d: {  	s1 =	ssub.s32 @!p0 $0x0, s1;
	[sflag:s0] =	ssyncset.done @!p0 $0x0  }
0x25e: {  	[sflag:s0] =	ssyncadd.s32 @!p0 s1  }
0x25f: {  	[bflag:$0x3] =	sbarrier.arrive $0xFFFF  }
0x260: {  	_ =	shalt  }

</sc_bundles>
